<compile_context>
chip_gen: v7x
topology: tpu7x:2x2x1
jax: 0.10.2.dev20260603
libtpu: 0.0.44.dev20260713+nightly
codegen_flags: <defaults>
</compile_context>

<pallas_src>
import functools

import jax
import jax.numpy as jnp
from jax import lax
from jax.experimental import pallas as pl
from jax.experimental.pallas import tpu as pltpu
from jax.experimental.pallas import tpu_sc as plsc

N = 10000
D = 128
E = 160000

CHUNK = 128
CHUNKS_PER_REL = 1280
E_PAD = CHUNKS_PER_REL * CHUNK
EDGE_PAD = E_PAD - E
STEPS = CHUNKS_PER_REL // 16
ACC_ROWS = 10112
ZROWS = ACC_ROWS // 16
ZERO_ROW = 2 * N
DEG_ROWS = 80


def _sc_segsum_body(table, src, dst, zrow, out_s, out_d,
                    sidx0, didx0, sidx1, didx1, didx2, didx3, msgs0, msgs1,
                    degl, idbuf, acc, accd,
                    semg0, semg1, sems0, sems1, isem0, isem1):
    cid = lax.axis_index("c")
    sid = lax.axis_index("s")
    zr = sid * ZROWS
    tail = ZROWS - 4 * CHUNK
    sbuf = (sidx0, sidx1)
    dbuf = (didx0, didx1, didx2, didx3)
    mbuf = (msgs0, msgs1)
    gsem = (semg0, semg1)
    ssem = (sems0, sems1)
    isem = (isem0, isem1)


    pltpu.sync_copy(zrow, msgs0)
    pltpu.sync_copy(zrow.at[pl.ds(0, DEG_ROWS)], degl)

    iota16 = lax.iota(jnp.int32, 16)
    for k in range(DEG_ROWS // 16):
        idbuf[pl.ds(k * 16, 16)] = iota16 + k * 16

    for k in range(4):
        pltpu.sync_copy(msgs0, acc.at[pl.ds(zr + k * CHUNK, CHUNK)])
    pltpu.sync_copy(msgs0.at[pl.ds(0, tail)],
                    acc.at[pl.ds(zr + 4 * CHUNK, tail)])

    @pl.when(sid == 0)
    def _zero_accd():
        pltpu.sync_copy(msgs0.at[pl.ds(0, DEG_ROWS)], accd)

    plsc.subcore_barrier()

    base = (cid * CHUNKS_PER_REL + sid * STEPS) * CHUNK
    ones16 = jnp.ones((16,), jnp.float32)

    def _load_idx(g, b):
        off = base + g * CHUNK
        pltpu.sync_copy(src.at[pl.ds(off, CHUNK)], sbuf[b])
        pltpu.sync_copy(dst.at[pl.ds(off, CHUNK)], dbuf[b])

    def _hist(b):
        for j in range(CHUNK // 16):
            idx16 = dbuf[b][pl.ds(j * 16, 16)]
            row16 = lax.shift_right_logical(idx16, 7)
            col16 = jnp.bitwise_and(idx16, 127)
            plsc.addupdate_scatter(degl, [row16, col16], ones16)

    def _idx_start(g, sp, dr):
        off = base + g * CHUNK
        sem = isem[sp]
        pltpu.async_copy(src.at[pl.ds(off, CHUNK)], sbuf[sp], sem)
        pltpu.async_copy(dst.at[pl.ds(off, CHUNK)], dbuf[dr], sem)

    def _idx_wait(g, sp, dr):
        off = base + g * CHUNK
        sem = isem[sp]
        pltpu.make_async_copy(src.at[pl.ds(off, CHUNK)], sbuf[sp], sem).wait()
        pltpu.make_async_copy(dst.at[pl.ds(off, CHUNK)], dbuf[dr], sem).wait()

    _load_idx(0, 0)
    _idx_start(1, 1, 1)
    pltpu.async_copy(table.at[sidx0], msgs0, semg0)

    NK = STEPS // 4

    def _quad(k, carry):
        k4 = 4 * k
        for b in range(4):
            p = b % 2
            q = 1 - p

            def _drain_q():
                pltpu.make_async_copy(
                    mbuf[q], acc.at[dbuf[(b + 3) % 4]], ssem[q]).wait()

            def _launch_next():
                _idx_wait(k4 + b + 1, q, (b + 1) % 4)
                pltpu.async_copy(table.at[sbuf[q]], mbuf[q], gsem[q])

            def _prefetch_idx():
                _idx_start(k4 + b + 2, p, (b + 2) % 4)

            if b == 0:
                @pl.when(k > 0)
                def _():
                    _drain_q()
                _launch_next()
            elif b == 3:
                _drain_q()

                @pl.when(k < NK - 1)
                def _():
                    _launch_next()
            else:
                _drain_q()
                _launch_next()

            pltpu.make_async_copy(table.at[sbuf[p]], mbuf[p], gsem[p]).wait()
            pltpu.async_copy(mbuf[p], acc.at[dbuf[b]], ssem[p], add=True)
            if b >= 2:
                @pl.when(k < NK - 1)
                def _():
                    _prefetch_idx()
            else:
                _prefetch_idx()
            _hist(b)
        return carry
    lax.fori_loop(0, NK, _quad, 0)
    pltpu.make_async_copy(mbuf[1], acc.at[dbuf[3]], ssem[1]).wait()

    pltpu.sync_copy(degl, accd.at[idbuf], add=True)

    plsc.subcore_barrier()

    wr = cid * ACC_ROWS + zr
    for k in range(4):
        pltpu.sync_copy(acc.at[pl.ds(zr + k * CHUNK, CHUNK)], msgs0)
        pltpu.sync_copy(msgs0, out_s.at[pl.ds(wr + k * CHUNK, CHUNK)])
    pltpu.sync_copy(acc.at[pl.ds(zr + 4 * CHUNK, tail)],
                    msgs0.at[pl.ds(0, tail)])
    pltpu.sync_copy(msgs0.at[pl.ds(0, tail)],
                    out_s.at[pl.ds(wr + 4 * CHUNK, tail)])

    @pl.when(sid == 0)
    def _write_deg():
        pltpu.sync_copy(accd, msgs0.at[pl.ds(0, DEG_ROWS)])
        pltpu.sync_copy(msgs0.at[pl.ds(0, DEG_ROWS)], out_d.at[cid])


_sc_segsum = functools.partial(
    pl.kernel,
    out_type=[
        jax.ShapeDtypeStruct((2 * ACC_ROWS, D), jnp.float32),
        jax.ShapeDtypeStruct((2, DEG_ROWS, D), jnp.float32),
    ],
    mesh=plsc.VectorSubcoreMesh(core_axis_name="c", subcore_axis_name="s"),
    compiler_params=pltpu.CompilerParams(needs_layout_passes=False),
    scratch_types=[
        pltpu.VMEM((CHUNK,), jnp.int32),
        pltpu.VMEM((CHUNK,), jnp.int32),
        pltpu.VMEM((CHUNK,), jnp.int32),
        pltpu.VMEM((CHUNK,), jnp.int32),
        pltpu.VMEM((CHUNK,), jnp.int32),
        pltpu.VMEM((CHUNK,), jnp.int32),
        pltpu.VMEM((CHUNK, D), jnp.float32),
        pltpu.VMEM((CHUNK, D), jnp.float32),
        pltpu.VMEM((DEG_ROWS, D), jnp.float32),
        pltpu.VMEM((DEG_ROWS,), jnp.int32),
        pltpu.VMEM_SHARED((ACC_ROWS, D), jnp.float32),
        pltpu.VMEM_SHARED((DEG_ROWS, D), jnp.float32),
        pltpu.SemaphoreType.DMA,
        pltpu.SemaphoreType.DMA,
        pltpu.SemaphoreType.DMA,
        pltpu.SemaphoreType.DMA,
        pltpu.SemaphoreType.DMA,
        pltpu.SemaphoreType.DMA,
    ],
)(_sc_segsum_body)


def _dense_body(fc_ref, sb_ref, so_ref, degb_ref, dego_ref,
                wec_ref, web_ref, weo_ref, wb1_ref, wo1_ref, wb2_ref, wo2_ref,
                ws1_ref, ws2_ref,
                w1_ref, b1_ref, w2_ref, b2_ref, w3_ref, b3_ref, out_ref):
    f32 = jnp.float32
    sb = sb_ref[...]
    so = so_ref[...]
    db = jnp.maximum(degb_ref[0], 1.0)
    do_ = jnp.maximum(dego_ref[0], 1.0)
    aggb = sb / db
    aggo = so / do_

    web = web_ref[...]
    weo = weo_ref[...]
    cb1 = jnp.dot(web, wb1_ref[...], preferred_element_type=f32)
    co1 = jnp.dot(weo, wo1_ref[...], preferred_element_type=f32)
    cb2 = jnp.dot(web, wb2_ref[...], preferred_element_type=f32)
    co2 = jnp.dot(weo, wo2_ref[...], preferred_element_type=f32)

    hc = jnp.dot(fc_ref[...], wec_ref[...], preferred_element_type=f32)
    mb1 = jnp.dot(aggb, cb1, preferred_element_type=f32)
    mo1 = jnp.dot(aggo, co1, preferred_element_type=f32)
    mb2 = jnp.dot(aggb, cb2, preferred_element_type=f32)
    mo2 = jnp.dot(aggo, co2, preferred_element_type=f32)

    h1 = jnp.maximum(
        jnp.dot(hc, ws1_ref[...], preferred_element_type=f32) + mb1 + mo1, 0.0)
    h2 = jnp.maximum(
        jnp.dot(h1, ws2_ref[...], preferred_element_type=f32) + mb2 + mo2, 0.0)

    w1 = w1_ref[...]
    x = (jnp.dot(h1, w1[0:D], preferred_element_type=f32)
         + jnp.dot(h2, w1[D:2 * D], preferred_element_type=f32)
         + jnp.dot(hc, w1[2 * D:3 * D], preferred_element_type=f32)
         + b1_ref[...])
    x = jnp.dot(x, w2_ref[...], preferred_element_type=f32) + b2_ref[...]
    x = jax.nn.sigmoid(x)
    x = jnp.dot(x, w3_ref[...], preferred_element_type=f32) + b3_ref[...]
    x = jax.nn.sigmoid(x)
    out_ref[...] = x


def _dense(fc, sums, deg, wec, web, weo, wb1, wo1, wb2, wo2, ws1, ws2,
           w1, b1, w2, b2, w3, b3):
    bm = ZROWS
    nblk = ACC_ROWS // bm
    grid = (nblk,)
    full = lambda shape: pl.BlockSpec(shape, lambda m: tuple(0 for _ in shape))
    out = pl.pallas_call(
        _dense_body,
        grid=grid,
        in_specs=[
            pl.BlockSpec((bm, D), lambda m: (m, 0)),
            pl.BlockSpec((bm, D), lambda m: (m, 0)),
            pl.BlockSpec((bm, D), lambda m: (m + nblk, 0)),
            pl.BlockSpec((1, bm, 1), lambda m: (0, m, 0)),
            pl.BlockSpec((1, bm, 1), lambda m: (1, m, 0)),
            full((D, D)), full((D, D)), full((D, D)), full((D, D)),
            full((D, D)), full((D, D)), full((D, D)),
            full((D, D)), full((D, D)),
            full((3 * D, 20)), full((20,)), full((20, 10)), full((10,)),
            full((10, 2)), full((2,)),
        ],
        out_specs=pl.BlockSpec((bm, 2), lambda m: (m, 0)),
        out_shape=jax.ShapeDtypeStruct((ACC_ROWS, 2), jnp.float32),
    )(fc, sums, sums, deg, deg, wec, web, weo, wb1, wo1, wb2, wo2, ws1, ws2,
      w1, b1, w2, b2, w3, b3)
    return out[:N]


def kernel(feat_company, feat_brand, feat_organize, edge_bc, edge_oc,
           W_emb_c, W_emb_b, W_emb_o,
           W_self_1, W_b_1, W_o_1, W_self_2, W_b_2, W_o_2,
           W1, b1, W2, b2, W3, b3):
    i32 = jnp.int32
    f32 = jnp.float32

    table = jnp.concatenate(
        [feat_brand, feat_organize, jnp.zeros((1, D), f32)], axis=0)

    pad_src = jnp.full((EDGE_PAD,), ZERO_ROW, i32)
    pad_dst = jnp.full((EDGE_PAD,), N, i32)
    src_all = jnp.concatenate(
        [edge_bc[0].astype(i32), pad_src,
         edge_oc[0].astype(i32) + N, pad_src])
    dst_all = jnp.concatenate(
        [edge_bc[1].astype(i32), pad_dst,
         edge_oc[1].astype(i32), pad_dst])

    zrow = jnp.zeros((CHUNK, D), f32)

    sums, deg_r = _sc_segsum(table, src_all, dst_all, zrow)
    deg = deg_r.reshape(2, DEG_ROWS * D, 1)[:, :ACC_ROWS]

    fc_pad = jnp.pad(feat_company, ((0, ACC_ROWS - N), (0, 0)))
    return _dense(fc_pad, sums, deg, W_emb_c, W_emb_b, W_emb_o,
                  W_b_1, W_o_1, W_b_2, W_o_2,
                  W_self_1, W_self_2, W1, b1, W2, b2, W3, b3)

# --- scband reference (transcript-rebuilt; emitter-appended) ---
"""Pipeline reference for scband-semantic-gnn-34754875359478 (READ-ONLY COPY).

The authoritative reference and input builder live on the scoring server;
editing this copy changes nothing except your own understanding.
"""

import jax, jax.numpy as jnp
import numpy as np

N = 10000   # nodes per type
D = 128     # in_dim == hid_dim
E = 160000  # edges per relation
NUM_LAYERS = 2


def setup_inputs(seed: int = 0) -> dict:
    key = jax.random.key(seed)
    ks = jax.random.split(key, 32)
    s = 1.0 / np.sqrt(D)
    inp = {}
    inp['feat_company'] = jax.random.normal(ks[0], (N, D), jnp.float32)
    inp['feat_brand'] = jax.random.normal(ks[1], (N, D), jnp.float32)
    inp['feat_organize'] = jax.random.normal(ks[2], (N, D), jnp.float32)
    inp['edge_bc'] = jax.random.randint(ks[3], (2, E), 0, N)
    inp['edge_oc'] = jax.random.randint(ks[4], (2, E), 0, N)
    # feature embedding layer (per node type linear projection to in_dim)
    inp['W_emb_c'] = jax.random.normal(ks[5], (D, D), jnp.float32) * s
    inp['W_emb_b'] = jax.random.normal(ks[6], (D, D), jnp.float32) * s
    inp['W_emb_o'] = jax.random.normal(ks[7], (D, D), jnp.float32) * s
    # semantic layers: self transform + per-relation neighbor transforms
    inp['W_self_1'] = jax.random.normal(ks[8], (D, D), jnp.float32) * s
    inp['W_b_1'] = jax.random.normal(ks[9], (D, D), jnp.float32) * s
    inp['W_o_1'] = jax.random.normal(ks[10], (D, D), jnp.float32) * s
    inp['W_self_2'] = jax.random.normal(ks[11], (D, D), jnp.float32) * s
    inp['W_b_2'] = jax.random.normal(ks[12], (D, D), jnp.float32) * s
    inp['W_o_2'] = jax.random.normal(ks[13], (D, D), jnp.float32) * s
    # MLP: (hid_dim + num_layers*in_dim) -> 20 -> 10 -> sigmoid -> 2 -> sigmoid
    cat_dim = D + NUM_LAYERS * D
    inp['W1'] = jax.random.normal(ks[14], (cat_dim, 20), jnp.float32) * (1.0 / np.sqrt(cat_dim))
    inp['b1'] = jnp.zeros((20,), jnp.float32)
    inp['W2'] = jax.random.normal(ks[15], (20, 10), jnp.float32) * (1.0 / np.sqrt(20))
    inp['b2'] = jnp.zeros((10,), jnp.float32)
    inp['W3'] = jax.random.normal(ks[16], (10, 2), jnp.float32) * (1.0 / np.sqrt(10))
    inp['b3'] = jnp.zeros((2,), jnp.float32)
    return inp


def _mean_agg(src_feat, edges, num_dst):
    src = edges[0]
    dst = edges[1]
    msgs = jnp.take(src_feat, src, axis=0)
    summed = jax.ops.segment_sum(msgs, dst, num_segments=num_dst)
    deg = jax.ops.segment_sum(jnp.ones((edges.shape[1],), jnp.float32), dst, num_segments=num_dst)
    return summed / jnp.clip(deg, 1.0)[:, None]


def reference(feat_company, feat_brand, feat_organize, edge_bc, edge_oc,
              W_emb_c, W_emb_b, W_emb_o,
              W_self_1, W_b_1, W_o_1, W_self_2, W_b_2, W_o_2,
              W1, b1, W2, b2, W3, b3):
    # feature embedding per node type
    h_c = feat_company @ W_emb_c
    h_b = feat_brand @ W_emb_b
    h_o = feat_organize @ W_emb_o
    org_company_feat = h_c
    layer_params = [(W_self_1, W_b_1, W_o_1), (W_self_2, W_b_2, W_o_2)]
    res_feat = []
    for (W_self, W_b, W_o) in layer_params:
        agg_b = _mean_agg(h_b, edge_bc, N)   # brand -> company
        agg_o = _mean_agg(h_o, edge_oc, N)   # organize -> company
        h_c = jax.nn.relu(h_c @ W_self + agg_b @ W_b + agg_o @ W_o)
        res_feat.append(h_c)
    company_graph_feat = jnp.concatenate(res_feat + [org_company_feat], axis=1)
    x = company_graph_feat @ W1 + b1
    x = x @ W2 + b2
    x = jax.nn.sigmoid(x)
    x = x @ W3 + b3
    x = jax.nn.sigmoid(x)
    return x

if __name__ == "__main__":
    import jax
    _d = setup_inputs()
    print(jax.jit(kernel)(*tuple(_d.values())))

</pallas_src>

<mosaic_0001>
#map = affine_map<(d0, d1) -> (0, 0)>
#map1 = affine_map<(d0, d1) -> (0)>
#map2 = affine_map<(d0, d1) -> (0, 0, 0)>
module attributes {stable_mosaic.version = 14 : i64} {
  func.func @_sc_segsum_body(%arg0: i32, %arg1: i32, %arg2: memref<20001x128xf32, #tpu.memory_space<hbm>>, %arg3: memref<327680xi32, #tpu.memory_space<hbm>>, %arg4: memref<327680xi32, #tpu.memory_space<hbm>>, %arg5: memref<128x128xf32, #tpu.memory_space<hbm>>, %arg6: memref<20224x128xf32, #tpu.memory_space<hbm>>, %arg7: memref<2x80x128xf32, #tpu.memory_space<hbm>>, %arg8: memref<128xi32, #tpu.memory_space<vmem>>, %arg9: memref<128xi32, #tpu.memory_space<vmem>>, %arg10: memref<128xi32, #tpu.memory_space<vmem>>, %arg11: memref<128xi32, #tpu.memory_space<vmem>>, %arg12: memref<128xi32, #tpu.memory_space<vmem>>, %arg13: memref<128xi32, #tpu.memory_space<vmem>>, %arg14: memref<128x128xf32, #tpu.memory_space<vmem>>, %arg15: memref<128x128xf32, #tpu.memory_space<vmem>>, %arg16: memref<80x128xf32, #tpu.memory_space<vmem>>, %arg17: memref<80xi32, #tpu.memory_space<vmem>>, %arg18: memref<10112x128xf32, #tpu.memory_space<vmem_shared>>, %arg19: memref<80x128xf32, #tpu.memory_space<vmem_shared>>, %arg20: memref<!tpu.dma_semaphore, #tpu.memory_space<semaphore_mem>>, %arg21: memref<!tpu.dma_semaphore, #tpu.memory_space<semaphore_mem>>, %arg22: memref<!tpu.dma_semaphore, #tpu.memory_space<semaphore_mem>>, %arg23: memref<!tpu.dma_semaphore, #tpu.memory_space<semaphore_mem>>, %arg24: memref<!tpu.dma_semaphore, #tpu.memory_space<semaphore_mem>>, %arg25: memref<!tpu.dma_semaphore, #tpu.memory_space<semaphore_mem>>) attributes {dimension_semantics = [#tpu.dimension_semantics<core_parallel>, #tpu.dimension_semantics<subcore_parallel>], iteration_bounds = array<i64: 2, 16>, scalar_prefetch = 0 : i64, scratch_operands = 18 : i64, tpu.core_type = #tpu.core_type<sc_vector_subcore>, window_params = [{transform_indices = #map}, {transform_indices = #map1}, {transform_indices = #map1}, {transform_indices = #map}, {transform_indices = #map}, {transform_indices = #map2}]} {
    %mul3A = arith.constant 632 : i32
    %mul3A_0 = arith.muli %arg1, %mul3A : i32
    "tpu.region"() ({
      %run_scoped3A = tpu.sem_alloc : memref<!tpu.dma_semaphore, #tpu.memory_space<semaphore_mem>>
      tpu.enqueue_dma source(%arg5 : memref<128x128xf32, #tpu.memory_space<hbm>>) target(%arg14 : memref<128x128xf32, #tpu.memory_space<vmem>>) target_semaphore(%run_scoped3A : memref<!tpu.dma_semaphore, #tpu.memory_space<semaphore_mem>>)
      tpu.wait_dma2 semaphore(%run_scoped3A : memref<!tpu.dma_semaphore, #tpu.memory_space<semaphore_mem>>) src(%arg5 : memref<128x128xf32, #tpu.memory_space<hbm>>) dst(%arg14 : memref<128x128xf32, #tpu.memory_space<vmem>>)
      tpu.yield
    }) : () -> ()
    "tpu.region"() ({
      %run_scoped3A = tpu.sem_alloc : memref<!tpu.dma_semaphore, #tpu.memory_space<semaphore_mem>>
      %dma_start3A_90 = arith.constant 0 : i32
      %dma_start3A_91 = arith.constant 0 : i32
      %dma_start3A_92 = tpu.memref_slice %arg5[%dma_start3A_90, %dma_start3A_91] : memref<128x128xf32, #tpu.memory_space<hbm>> -> memref<80x128xf32, #tpu.memory_space<hbm>>
      %dma_start3A_93 = arith.constant 0 : i32
      %dma_start3A_94 = arith.constant 0 : i32
      %dma_start3A_95 = tpu.memref_slice %arg5[%dma_start3A_93, %dma_start3A_94] : memref<128x128xf32, #tpu.memory_space<hbm>> -> memref<80x128xf32, #tpu.memory_space<hbm>>
      tpu.enqueue_dma source(%dma_start3A_95 : memref<80x128xf32, #tpu.memory_space<hbm>>) target(%arg16 : memref<80x128xf32, #tpu.memory_space<vmem>>) target_semaphore(%run_scoped3A : memref<!tpu.dma_semaphore, #tpu.memory_space<semaphore_mem>>)
      %dma_wait3A_96 = arith.constant 0 : i32
      %dma_wait3A_97 = arith.constant 0 : i32
      %dma_wait3A_98 = tpu.memref_slice %arg5[%dma_wait3A_96, %dma_wait3A_97] : memref<128x128xf32, #tpu.memory_space<hbm>> -> memref<80x128xf32, #tpu.memory_space<hbm>>
      %dma_wait3A_99 = arith.constant 0 : i32
      %dma_wait3A_100 = arith.constant 0 : i32
      %dma_wait3A_101 = tpu.memref_slice %arg5[%dma_wait3A_99, %dma_wait3A_100] : memref<128x128xf32, #tpu.memory_space<hbm>> -> memref<80x128xf32, #tpu.memory_space<hbm>>
      tpu.wait_dma2 semaphore(%run_scoped3A : memref<!tpu.dma_semaphore, #tpu.memory_space<semaphore_mem>>) src(%dma_wait3A_101 : memref<80x128xf32, #tpu.memory_space<hbm>>) dst(%arg16 : memref<80x128xf32, #tpu.memory_space<vmem>>)
      tpu.yield
    }) : () -> ()
    %iota3A = tpu.iota {dimensions = array<i32: 0>} : vector<16xi32>
    %add3A = arith.constant 0 : i32
    %add3A_1 = vector.broadcast %add3A : i32 to vector<16xi32>
    %add3A_2 = arith.addi %iota3A, %add3A_1 : vector<16xi32>
    %swap3A = arith.constant 0 : index
    %swap3A_3 = tpu.vector_load %arg17[%swap3A] {strides = array<i32>} : memref<80xi32, #tpu.memory_space<vmem>>, vector<16xi32>,
    tpu.vector_store %arg17[%swap3A], %add3A_2 {strides = array<i32>} : memref<80xi32, #tpu.memory_space<vmem>>, vector<16xi32>,
    %add3A_4 = arith.constant 16 : i32
    %add3A_5 = vector.broadcast %add3A_4 : i32 to vector<16xi32>
    %add3A_6 = arith.addi %iota3A, %add3A_5 : vector<16xi32>
    %swap3A_7 = arith.constant 16 : index
    %swap3A_8 = tpu.vector_load %arg17[%swap3A_7] {strides = array<i32>} : memref<80xi32, #tpu.memory_space<vmem>>, vector<16xi32>,
    tpu.vector_store %arg17[%swap3A_7], %add3A_6 {strides = array<i32>} : memref<80xi32, #tpu.memory_space<vmem>>, vector<16xi32>,
    %add3A_9 = arith.constant 32 : i32
    %add3A_10 = vector.broadcast %add3A_9 : i32 to vector<16xi32>
    %add3A_11 = arith.addi %iota3A, %add3A_10 : vector<16xi32>
    %swap3A_12 = arith.constant 32 : index
    %swap3A_13 = tpu.vector_load %arg17[%swap3A_12] {strides = array<i32>} : memref<80xi32, #tpu.memory_space<vmem>>, vector<16xi32>,
    tpu.vector_store %arg17[%swap3A_12], %add3A_11 {strides = array<i32>} : memref<80xi32, #tpu.memory_space<vmem>>, vector<16xi32>,
    %add3A_14 = arith.constant 48 : i32
    %add3A_15 = vector.broadcast %add3A_14 : i32 to vector<16xi32>
    %add3A_16 = arith.addi %iota3A, %add3A_15 : vector<16xi32>
    %swap3A_17 = arith.constant 48 : index
    %swap3A_18 = tpu.vector_load %arg17[%swap3A_17] {strides = array<i32>} : memref<80xi32, #tpu.memory_space<vmem>>, vector<16xi32>,
    tpu.vector_store %arg17[%swap3A_17], %add3A_16 {strides = array<i32>} : memref<80xi32, #tpu.memory_space<vmem>>, vector<16xi32>,
    %add3A_19 = arith.constant 64 : i32
    %add3A_20 = vector.broadcast %add3A_19 : i32 to vector<16xi32>
    %add3A_21 = arith.addi %iota3A, %add3A_20 : vector<16xi32>
    %swap3A_22 = arith.constant 64 : index
    %swap3A_23 = tpu.vector_load %arg17[%swap3A_22] {strides = array<i32>} : memref<80xi32, #tpu.memory_space<vmem>>, vector<16xi32>,
    tpu.vector_store %arg17[%swap3A_22], %add3A_21 {strides = array<i32>} : memref<80xi32, #tpu.memory_space<vmem>>, vector<16xi32>,
    %add3A_24 = arith.constant 0 : i32
    %add3A_25 = arith.addi %mul3A_0, %add3A_24 : i32
    "tpu.region"() ({
      %run_scoped3A = tpu.sem_alloc : memref<!tpu.dma_semaphore, #tpu.memory_space<semaphore_mem>>
      %dma_start3A_90 = arith.constant 0 : i32
      %dma_start3A_91 = tpu.memref_slice %arg18[%add3A_25, %dma_start3A_90] : memref<10112x128xf32, #tpu.memory_space<vmem_shared>> -> memref<128x128xf32, #tpu.memory_space<vmem_shared>>
      %dma_start3A_92 = arith.constant 0 : i32
      %dma_start3A_93 = tpu.memref_slice %arg18[%add3A_25, %dma_start3A_92] : memref<10112x128xf32, #tpu.memory_space<vmem_shared>> -> memref<128x128xf32, #tpu.memory_space<vmem_shared>>
      tpu.enqueue_dma source(%arg14 : memref<128x128xf32, #tpu.memory_space<vmem>>) target(%dma_start3A_93 : memref<128x128xf32, #tpu.memory_space<vmem_shared>>) target_semaphore(%run_scoped3A : memref<!tpu.dma_semaphore, #tpu.memory_space<semaphore_mem>>)
      %dma_wait3A_94 = arith.constant 0 : i32
      %dma_wait3A_95 = tpu.memref_slice %arg18[%add3A_25, %dma_wait3A_94] : memref<10112x128xf32, #tpu.memory_space<vmem_shared>> -> memref<128x128xf32, #tpu.memory_space<vmem_shared>>
      %dma_wait3A_96 = arith.constant 0 : i32
      %dma_wait3A_97 = tpu.memref_slice %arg18[%add3A_25, %dma_wait3A_96] : memref<10112x128xf32, #tpu.memory_space<vmem_shared>> -> memref<128x128xf32, #tpu.memory_space<vmem_shared>>
      tpu.wait_dma2 semaphore(%run_scoped3A : memref<!tpu.dma_semaphore, #tpu.memory_space<semaphore_mem>>) src(%arg14 : memref<128x128xf32, #tpu.memory_space<vmem>>) dst(%dma_wait3A_97 : memref<128x128xf32, #tpu.memory_space<vmem_shared>>)
      tpu.yield
    }) : () -> ()
    %add3A_26 = arith.constant 128 : i32
    %add3A_27 = arith.addi %mul3A_0, %add3A_26 : i32
    "tpu.region"() ({
      %run_scoped3A = tpu.sem_alloc : memref<!tpu.dma_semaphore, #tpu.memory_space<semaphore_mem>>
      %dma_start3A_90 = arith.constant 0 : i32
      %dma_start3A_91 = tpu.memref_slice %arg18[%add3A_27, %dma_start3A_90] : memref<10112x128xf32, #tpu.memory_space<vmem_shared>> -> memref<128x128xf32, #tpu.memory_space<vmem_shared>>
      %dma_start3A_92 = arith.constant 0 : i32
      %dma_start3A_93 = tpu.memref_slice %arg18[%add3A_27, %dma_start3A_92] : memref<10112x128xf32, #tpu.memory_space<vmem_shared>> -> memref<128x128xf32, #tpu.memory_space<vmem_shared>>
      tpu.enqueue_dma source(%arg14 : memref<128x128xf32, #tpu.memory_space<vmem>>) target(%dma_start3A_93 : memref<128x128xf32, #tpu.memory_space<vmem_shared>>) target_semaphore(%run_scoped3A : memref<!tpu.dma_semaphore, #tpu.memory_space<semaphore_mem>>)
      %dma_wait3A_94 = arith.constant 0 : i32
      %dma_wait3A_95 = tpu.memref_slice %arg18[%add3A_27, %dma_wait3A_94] : memref<10112x128xf32, #tpu.memory_space<vmem_shared>> -> memref<128x128xf32, #tpu.memory_space<vmem_shared>>
      %dma_wait3A_96 = arith.constant 0 : i32
      %dma_wait3A_97 = tpu.memref_slice %arg18[%add3A_27, %dma_wait3A_96] : memref<10112x128xf32, #tpu.memory_space<vmem_shared>> -> memref<128x128xf32, #tpu.memory_space<vmem_shared>>
      tpu.wait_dma2 semaphore(%run_scoped3A : memref<!tpu.dma_semaphore, #tpu.memory_space<semaphore_mem>>) src(%arg14 : memref<128x128xf32, #tpu.memory_space<vmem>>) dst(%dma_wait3A_97 : memref<128x128xf32, #tpu.memory_space<vmem_shared>>)
      tpu.yield
    }) : () -> ()
    %add3A_28 = arith.constant 256 : i32
    %add3A_29 = arith.addi %mul3A_0, %add3A_28 : i32
    "tpu.region"() ({
      %run_scoped3A = tpu.sem_alloc : memref<!tpu.dma_semaphore, #tpu.memory_space<semaphore_mem>>
      %dma_start3A_90 = arith.constant 0 : i32
      %dma_start3A_91 = tpu.memref_slice %arg18[%add3A_29, %dma_start3A_90] : memref<10112x128xf32, #tpu.memory_space<vmem_shared>> -> memref<128x128xf32, #tpu.memory_space<vmem_shared>>
      %dma_start3A_92 = arith.constant 0 : i32
      %dma_start3A_93 = tpu.memref_slice %arg18[%add3A_29, %dma_start3A_92] : memref<10112x128xf32, #tpu.memory_space<vmem_shared>> -> memref<128x128xf32, #tpu.memory_space<vmem_shared>>
      tpu.enqueue_dma source(%arg14 : memref<128x128xf32, #tpu.memory_space<vmem>>) target(%dma_start3A_93 : memref<128x128xf32, #tpu.memory_space<vmem_shared>>) target_semaphore(%run_scoped3A : memref<!tpu.dma_semaphore, #tpu.memory_space<semaphore_mem>>)
      %dma_wait3A_94 = arith.constant 0 : i32
      %dma_wait3A_95 = tpu.memref_slice %arg18[%add3A_29, %dma_wait3A_94] : memref<10112x128xf32, #tpu.memory_space<vmem_shared>> -> memref<128x128xf32, #tpu.memory_space<vmem_shared>>
      %dma_wait3A_96 = arith.constant 0 : i32
      %dma_wait3A_97 = tpu.memref_slice %arg18[%add3A_29, %dma_wait3A_96] : memref<10112x128xf32, #tpu.memory_space<vmem_shared>> -> memref<128x128xf32, #tpu.memory_space<vmem_shared>>
      tpu.wait_dma2 semaphore(%run_scoped3A : memref<!tpu.dma_semaphore, #tpu.memory_space<semaphore_mem>>) src(%arg14 : memref<128x128xf32, #tpu.memory_space<vmem>>) dst(%dma_wait3A_97 : memref<128x128xf32, #tpu.memory_space<vmem_shared>>)
      tpu.yield
    }) : () -> ()
    %add3A_30 = arith.constant 384 : i32
    %add3A_31 = arith.addi %mul3A_0, %add3A_30 : i32
    "tpu.region"() ({
      %run_scoped3A = tpu.sem_alloc : memref<!tpu.dma_semaphore, #tpu.memory_space<semaphore_mem>>
      %dma_start3A_90 = arith.constant 0 : i32
      %dma_start3A_91 = tpu.memref_slice %arg18[%add3A_31, %dma_start3A_90] : memref<10112x128xf32, #tpu.memory_space<vmem_shared>> -> memref<128x128xf32, #tpu.memory_space<vmem_shared>>
      %dma_start3A_92 = arith.constant 0 : i32
      %dma_start3A_93 = tpu.memref_slice %arg18[%add3A_31, %dma_start3A_92] : memref<10112x128xf32, #tpu.memory_space<vmem_shared>> -> memref<128x128xf32, #tpu.memory_space<vmem_shared>>
      tpu.enqueue_dma source(%arg14 : memref<128x128xf32, #tpu.memory_space<vmem>>) target(%dma_start3A_93 : memref<128x128xf32, #tpu.memory_space<vmem_shared>>) target_semaphore(%run_scoped3A : memref<!tpu.dma_semaphore, #tpu.memory_space<semaphore_mem>>)
      %dma_wait3A_94 = arith.constant 0 : i32
      %dma_wait3A_95 = tpu.memref_slice %arg18[%add3A_31, %dma_wait3A_94] : memref<10112x128xf32, #tpu.memory_space<vmem_shared>> -> memref<128x128xf32, #tpu.memory_space<vmem_shared>>
      %dma_wait3A_96 = arith.constant 0 : i32
      %dma_wait3A_97 = tpu.memref_slice %arg18[%add3A_31, %dma_wait3A_96] : memref<10112x128xf32, #tpu.memory_space<vmem_shared>> -> memref<128x128xf32, #tpu.memory_space<vmem_shared>>
      tpu.wait_dma2 semaphore(%run_scoped3A : memref<!tpu.dma_semaphore, #tpu.memory_space<semaphore_mem>>) src(%arg14 : memref<128x128xf32, #tpu.memory_space<vmem>>) dst(%dma_wait3A_97 : memref<128x128xf32, #tpu.memory_space<vmem_shared>>)
      tpu.yield
    }) : () -> ()
    %add3A_32 = arith.constant 512 : i32
    %add3A_33 = arith.addi %mul3A_0, %add3A_32 : i32
    "tpu.region"() ({
      %run_scoped3A = tpu.sem_alloc : memref<!tpu.dma_semaphore, #tpu.memory_space<semaphore_mem>>
      %dma_start3A_90 = arith.constant 0 : i32
      %dma_start3A_91 = arith.constant 0 : i32
      %dma_start3A_92 = tpu.memref_slice %arg14[%dma_start3A_90, %dma_start3A_91] : memref<128x128xf32, #tpu.memory_space<vmem>> -> memref<120x128xf32, #tpu.memory_space<vmem>>
      %dma_start3A_93 = arith.constant 0 : i32
      %dma_start3A_94 = tpu.memref_slice %arg18[%add3A_33, %dma_start3A_93] : memref<10112x128xf32, #tpu.memory_space<vmem_shared>> -> memref<120x128xf32, #tpu.memory_space<vmem_shared>>
      %dma_start3A_95 = arith.constant 0 : i32
      %dma_start3A_96 = tpu.memref_slice %arg18[%add3A_33, %dma_start3A_95] : memref<10112x128xf32, #tpu.memory_space<vmem_shared>> -> memref<120x128xf32, #tpu.memory_space<vmem_shared>>
      %dma_start3A_97 = arith.constant 0 : i32
      %dma_start3A_98 = arith.constant 0 : i32
      %dma_start3A_99 = tpu.memref_slice %arg14[%dma_start3A_97, %dma_start3A_98] : memref<128x128xf32, #tpu.memory_space<vmem>> -> memref<120x128xf32, #tpu.memory_space<vmem>>
      tpu.enqueue_dma source(%dma_start3A_99 : memref<120x128xf32, #tpu.memory_space<vmem>>) target(%dma_start3A_96 : memref<120x128xf32, #tpu.memory_space<vmem_shared>>) target_semaphore(%run_scoped3A : memref<!tpu.dma_semaphore, #tpu.memory_space<semaphore_mem>>)
      %dma_wait3A_100 = arith.constant 0 : i32
      %dma_wait3A_101 = arith.constant 0 : i32
      %dma_wait3A_102 = tpu.memref_slice %arg14[%dma_wait3A_100, %dma_wait3A_101] : memref<128x128xf32, #tpu.memory_space<vmem>> -> memref<120x128xf32, #tpu.memory_space<vmem>>
      %dma_wait3A_103 = arith.constant 0 : i32
      %dma_wait3A_104 = tpu.memref_slice %arg18[%add3A_33, %dma_wait3A_103] : memref<10112x128xf32, #tpu.memory_space<vmem_shared>> -> memref<120x128xf32, #tpu.memory_space<vmem_shared>>
      %dma_wait3A_105 = arith.constant 0 : i32
      %dma_wait3A_106 = tpu.memref_slice %arg18[%add3A_33, %dma_wait3A_105] : memref<10112x128xf32, #tpu.memory_space<vmem_shared>> -> memref<120x128xf32, #tpu.memory_space<vmem_shared>>
      %dma_wait3A_107 = arith.constant 0 : i32
      %dma_wait3A_108 = arith.constant 0 : i32
      %dma_wait3A_109 = tpu.memref_slice %arg14[%dma_wait3A_107, %dma_wait3A_108] : memref<128x128xf32, #tpu.memory_space<vmem>> -> memref<120x128xf32, #tpu.memory_space<vmem>>
      tpu.wait_dma2 semaphore(%run_scoped3A : memref<!tpu.dma_semaphore, #tpu.memory_space<semaphore_mem>>) src(%dma_wait3A_109 : memref<120x128xf32, #tpu.memory_space<vmem>>) dst(%dma_wait3A_106 : memref<120x128xf32, #tpu.memory_space<vmem_shared>>)
      tpu.yield
    }) : () -> ()
    %eq3A = arith.constant 0 : i32
    %eq3A_34 = arith.cmpi eq, %arg1, %eq3A : i32
    %convert_element_type3A = arith.extui %eq3A_34 : i1 to i32
    %cond3A = arith.constant 0 : i32
    %cond3A_35 = arith.cmpi ne, %convert_element_type3A, %cond3A : i32
    scf.if %cond3A_35 {
      "tpu.region"() ({
        %run_scoped3A = tpu.sem_alloc : memref<!tpu.dma_semaphore, #tpu.memory_space<semaphore_mem>>
        %dma_start3A_90 = arith.constant 0 : i32
        %dma_start3A_91 = arith.constant 0 : i32
        %dma_start3A_92 = tpu.memref_slice %arg14[%dma_start3A_90, %dma_start3A_91] : memref<128x128xf32, #tpu.memory_space<vmem>> -> memref<80x128xf32, #tpu.memory_space<vmem>>
        %dma_start3A_93 = arith.constant 0 : i32
        %dma_start3A_94 = arith.constant 0 : i32
        %dma_start3A_95 = tpu.memref_slice %arg14[%dma_start3A_93, %dma_start3A_94] : memref<128x128xf32, #tpu.memory_space<vmem>> -> memref<80x128xf32, #tpu.memory_space<vmem>>
        tpu.enqueue_dma source(%dma_start3A_95 : memref<80x128xf32, #tpu.memory_space<vmem>>) target(%arg19 : memref<80x128xf32, #tpu.memory_space<vmem_shared>>) target_semaphore(%run_scoped3A : memref<!tpu.dma_semaphore, #tpu.memory_space<semaphore_mem>>)
        %dma_wait3A_96 = arith.constant 0 : i32
        %dma_wait3A_97 = arith.constant 0 : i32
        %dma_wait3A_98 = tpu.memref_slice %arg14[%dma_wait3A_96, %dma_wait3A_97] : memref<128x128xf32, #tpu.memory_space<vmem>> -> memref<80x128xf32, #tpu.memory_space<vmem>>
        %dma_wait3A_99 = arith.constant 0 : i32
        %dma_wait3A_100 = arith.constant 0 : i32
        %dma_wait3A_101 = tpu.memref_slice %arg14[%dma_wait3A_99, %dma_wait3A_100] : memref<128x128xf32, #tpu.memory_space<vmem>> -> memref<80x128xf32, #tpu.memory_space<vmem>>
        tpu.wait_dma2 semaphore(%run_scoped3A : memref<!tpu.dma_semaphore, #tpu.memory_space<semaphore_mem>>) src(%dma_wait3A_101 : memref<80x128xf32, #tpu.memory_space<vmem>>) dst(%arg19 : memref<80x128xf32, #tpu.memory_space<vmem_shared>>)
        tpu.yield
      }) : () -> ()
    } else {
    }
    %barrier3A = arith.constant 0 : index
    tpu.barrier barrier_id(%barrier3A)
    %mul3A_36 = arith.constant 1280 : i32
    %mul3A_37 = arith.muli %arg0, %mul3A_36 : i32
    %mul3A_38 = arith.constant 80 : i32
    %mul3A_39 = arith.muli %arg1, %mul3A_38 : i32
    %add3A_40 = arith.addi %mul3A_37, %mul3A_39 : i32
    %mul3A_41 = arith.constant 128 : i32
    %mul3A_42 = arith.muli %add3A_40, %mul3A_41 : i32
    %broadcast_in_dim3A = arith.constant 1.000000e+00 : f32
    %broadcast_in_dim3A_43 = vector.broadcast %broadcast_in_dim3A : f32 to vector<16xf32>
    %add3A_44 = arith.constant 0 : i32
    %add3A_45 = arith.addi %mul3A_42, %add3A_44 : i32
    "tpu.region"() ({
      %run_scoped3A = tpu.sem_alloc : memref<!tpu.dma_semaphore, #tpu.memory_space<semaphore_mem>>
      %dma_start3A_90 = tpu.memref_slice %arg3[%add3A_45] : memref<327680xi32, #tpu.memory_space<hbm>> -> memref<128xi32, #tpu.memory_space<hbm>>
      %dma_start3A_91 = tpu.memref_slice %arg3[%add3A_45] : memref<327680xi32, #tpu.memory_space<hbm>> -> memref<128xi32, #tpu.memory_space<hbm>>
      tpu.enqueue_dma source(%dma_start3A_91 : memref<128xi32, #tpu.memory_space<hbm>>) target(%arg8 : memref<128xi32, #tpu.memory_space<vmem>>) target_semaphore(%run_scoped3A : memref<!tpu.dma_semaphore, #tpu.memory_space<semaphore_mem>>)
      %dma_wait3A_92 = tpu.memref_slice %arg3[%add3A_45] : memref<327680xi32, #tpu.memory_space<hbm>> -> memref<128xi32, #tpu.memory_space<hbm>>
      %dma_wait3A_93 = tpu.memref_slice %arg3[%add3A_45] : memref<327680xi32, #tpu.memory_space<hbm>> -> memref<128xi32, #tpu.memory_space<hbm>>
      tpu.wait_dma2 semaphore(%run_scoped3A : memref<!tpu.dma_semaphore, #tpu.memory_space<semaphore_mem>>) src(%dma_wait3A_93 : memref<128xi32, #tpu.memory_space<hbm>>) dst(%arg8 : memref<128xi32, #tpu.memory_space<vmem>>)
      tpu.yield
    }) : () -> ()
    "tpu.region"() ({
      %run_scoped3A = tpu.sem_alloc : memref<!tpu.dma_semaphore, #tpu.memory_space<semaphore_mem>>
      %dma_start3A_90 = tpu.memref_slice %arg4[%add3A_45] : memref<327680xi32, #tpu.memory_space<hbm>> -> memref<128xi32, #tpu.memory_space<hbm>>
      %dma_start3A_91 = tpu.memref_slice %arg4[%add3A_45] : memref<327680xi32, #tpu.memory_space<hbm>> -> memref<128xi32, #tpu.memory_space<hbm>>
      tpu.enqueue_dma source(%dma_start3A_91 : memref<128xi32, #tpu.memory_space<hbm>>) target(%arg9 : memref<128xi32, #tpu.memory_space<vmem>>) target_semaphore(%run_scoped3A : memref<!tpu.dma_semaphore, #tpu.memory_space<semaphore_mem>>)
      %dma_wait3A_92 = tpu.memref_slice %arg4[%add3A_45] : memref<327680xi32, #tpu.memory_space<hbm>> -> memref<128xi32, #tpu.memory_space<hbm>>
      %dma_wait3A_93 = tpu.memref_slice %arg4[%add3A_45] : memref<327680xi32, #tpu.memory_space<hbm>> -> memref<128xi32, #tpu.memory_space<hbm>>
      tpu.wait_dma2 semaphore(%run_scoped3A : memref<!tpu.dma_semaphore, #tpu.memory_space<semaphore_mem>>) src(%dma_wait3A_93 : memref<128xi32, #tpu.memory_space<hbm>>) dst(%arg9 : memref<128xi32, #tpu.memory_space<vmem>>)
      tpu.yield
    }) : () -> ()
    %add3A_46 = arith.constant 128 : i32
    %add3A_47 = arith.addi %mul3A_42, %add3A_46 : i32
    %dma_start3A = tpu.memref_slice %arg3[%add3A_47] : memref<327680xi32, #tpu.memory_space<hbm>> -> memref<128xi32, #tpu.memory_space<hbm>>
    %dma_start3A_48 = tpu.memref_slice %arg3[%add3A_47] : memref<327680xi32, #tpu.memory_space<hbm>> -> memref<128xi32, #tpu.memory_space<hbm>>
    tpu.enqueue_dma source(%dma_start3A_48 : memref<128xi32, #tpu.memory_space<hbm>>) target(%arg10 : memref<128xi32, #tpu.memory_space<vmem>>) target_semaphore(%arg25 : memref<!tpu.dma_semaphore, #tpu.memory_space<semaphore_mem>>)
    %dma_start3A_49 = tpu.memref_slice %arg4[%add3A_47] : memref<327680xi32, #tpu.memory_space<hbm>> -> memref<128xi32, #tpu.memory_space<hbm>>
    %dma_start3A_50 = tpu.memref_slice %arg4[%add3A_47] : memref<327680xi32, #tpu.memory_space<hbm>> -> memref<128xi32, #tpu.memory_space<hbm>>
    tpu.enqueue_dma source(%dma_start3A_50 : memref<128xi32, #tpu.memory_space<hbm>>) target(%arg11 : memref<128xi32, #tpu.memory_space<vmem>>) target_semaphore(%arg25 : memref<!tpu.dma_semaphore, #tpu.memory_space<semaphore_mem>>)
    %dma_start3A_51 = arith.constant 0 : i32
    %dma_start3A_52 = arith.constant 0 : i32
    %dma_start3A_53 = tpu.memref_slice %arg2[%dma_start3A_51, %dma_start3A_52] : memref<20001x128xf32, #tpu.memory_space<hbm>> -> memref<20001x128xf32, #tpu.memory_space<hbm>>
    tpu.enqueue_indirect_dma source(%dma_start3A_53 : memref<20001x128xf32, #tpu.memory_space<hbm>>) target(%arg14 : memref<128x128xf32, #tpu.memory_space<vmem>>) offsets(%arg8 : memref<128xi32, #tpu.memory_space<vmem>>) semaphore(%arg20 : memref<!tpu.dma_semaphore, #tpu.memory_space<semaphore_mem>>)
    %scan3A = arith.constant 0 : i32
    %scan3A_54 = arith.constant 0 : i32
    %scan3A_55 = arith.constant 20 : i32
    %scan3A_56 = arith.addi %scan3A_54, %scan3A_55 : i32
    %scan3A_57 = arith.constant 1 : i32
    scf.for %scan3A_90 = %scan3A_54 to %scan3A_56 step %scan3A_57  : i32 {
      %mul3A_91 = arith.constant 4 : i32
      %mul3A_92 = arith.muli %mul3A_91, %scan3A_90 : i32
      %gt3A = arith.constant 0 : i32
      %gt3A_93 = arith.cmpi sgt, %scan3A_90, %gt3A : i32
      %convert_element_type3A_94 = arith.extui %gt3A_93 : i1 to i32
      %cond3A_95 = arith.constant 0 : i32
      %cond3A_96 = arith.cmpi ne, %convert_element_type3A_94, %cond3A_95 : i32
      scf.if %cond3A_96 {
        %dma_wait3A_461 = arith.constant 0 : i32
        %dma_wait3A_462 = arith.constant 0 : i32
        %dma_wait3A_463 = tpu.memref_slice %arg18[%dma_wait3A_461, %dma_wait3A_462] : memref<10112x128xf32, #tpu.memory_space<vmem_shared>> -> memref<10112x128xf32, #tpu.memory_space<vmem_shared>>
        tpu.wait_indirect_dma semaphore(%arg23 : memref<!tpu.dma_semaphore, #tpu.memory_space<semaphore_mem>>) src(%arg15 : memref<128x128xf32, #tpu.memory_space<vmem>>) dst(%dma_wait3A_463 : memref<10112x128xf32, #tpu.memory_space<vmem_shared>>)
      } else {
      }
      %add3A_97 = arith.constant 0 : i32
      %add3A_98 = arith.addi %mul3A_92, %add3A_97 : i32
      %add3A_99 = arith.constant 1 : i32
      %add3A_100 = arith.addi %add3A_98, %add3A_99 : i32
      %mul3A_101 = arith.constant 128 : i32
      %mul3A_102 = arith.muli %add3A_100, %mul3A_101 : i32
      %add3A_103 = arith.addi %mul3A_42, %mul3A_102 : i32
      %dma_wait3A_104 = tpu.memref_slice %arg3[%add3A_103] : memref<327680xi32, #tpu.memory_space<hbm>> -> memref<128xi32, #tpu.memory_space<hbm>>
      %dma_wait3A_105 = tpu.memref_slice %arg3[%add3A_103] : memref<327680xi32, #tpu.memory_space<hbm>> -> memref<128xi32, #tpu.memory_space<hbm>>
      tpu.wait_dma2 semaphore(%arg25 : memref<!tpu.dma_semaphore, #tpu.memory_space<semaphore_mem>>) src(%dma_wait3A_105 : memref<128xi32, #tpu.memory_space<hbm>>) dst(%arg10 : memref<128xi32, #tpu.memory_space<vmem>>)
      %dma_wait3A_106 = tpu.memref_slice %arg4[%add3A_103] : memref<327680xi32, #tpu.memory_space<hbm>> -> memref<128xi32, #tpu.memory_space<hbm>>
      %dma_wait3A_107 = tpu.memref_slice %arg4[%add3A_103] : memref<327680xi32, #tpu.memory_space<hbm>> -> memref<128xi32, #tpu.memory_space<hbm>>
      tpu.wait_dma2 semaphore(%arg25 : memref<!tpu.dma_semaphore, #tpu.memory_space<semaphore_mem>>) src(%dma_wait3A_107 : memref<128xi32, #tpu.memory_space<hbm>>) dst(%arg11 : memref<128xi32, #tpu.memory_space<vmem>>)
      %dma_start3A_108 = arith.constant 0 : i32
      %dma_start3A_109 = arith.constant 0 : i32
      %dma_start3A_110 = tpu.memref_slice %arg2[%dma_start3A_108, %dma_start3A_109] : memref<20001x128xf32, #tpu.memory_space<hbm>> -> memref<20001x128xf32, #tpu.memory_space<hbm>>
      tpu.enqueue_indirect_dma source(%dma_start3A_110 : memref<20001x128xf32, #tpu.memory_space<hbm>>) target(%arg15 : memref<128x128xf32, #tpu.memory_space<vmem>>) offsets(%arg10 : memref<128xi32, #tpu.memory_space<vmem>>) semaphore(%arg21 : memref<!tpu.dma_semaphore, #tpu.memory_space<semaphore_mem>>)
      %dma_wait3A_111 = arith.constant 0 : i32
      %dma_wait3A_112 = arith.constant 0 : i32
      %dma_wait3A_113 = tpu.memref_slice %arg2[%dma_wait3A_111, %dma_wait3A_112] : memref<20001x128xf32, #tpu.memory_space<hbm>> -> memref<20001x128xf32, #tpu.memory_space<hbm>>
      tpu.wait_indirect_dma semaphore(%arg20 : memref<!tpu.dma_semaphore, #tpu.memory_space<semaphore_mem>>) src(%dma_wait3A_113 : memref<20001x128xf32, #tpu.memory_space<hbm>>) dst(%arg14 : memref<128x128xf32, #tpu.memory_space<vmem>>)
      %dma_start3A_114 = arith.constant 0 : i32
      %dma_start3A_115 = arith.constant 0 : i32
      %dma_start3A_116 = tpu.memref_slice %arg18[%dma_start3A_114, %dma_start3A_115] : memref<10112x128xf32, #tpu.memory_space<vmem_shared>> -> memref<10112x128xf32, #tpu.memory_space<vmem_shared>>
      tpu.enqueue_indirect_dma source(%arg14 : memref<128x128xf32, #tpu.memory_space<vmem>>) target(%dma_start3A_116 : memref<10112x128xf32, #tpu.memory_space<vmem_shared>>) offsets(%arg9 : memref<128xi32, #tpu.memory_space<vmem>>) semaphore(%arg22 : memref<!tpu.dma_semaphore, #tpu.memory_space<semaphore_mem>>) {add = true}
      %add3A_117 = arith.constant 0 : i32
      %add3A_118 = arith.addi %mul3A_92, %add3A_117 : i32
      %add3A_119 = arith.constant 2 : i32
      %add3A_120 = arith.addi %add3A_118, %add3A_119 : i32
      %mul3A_121 = arith.constant 128 : i32
      %mul3A_122 = arith.muli %add3A_120, %mul3A_121 : i32
      %add3A_123 = arith.addi %mul3A_42, %mul3A_122 : i32
      %dma_start3A_124 = tpu.memref_slice %arg3[%add3A_123] : memref<327680xi32, #tpu.memory_space<hbm>> -> memref<128xi32, #tpu.memory_space<hbm>>
      %dma_start3A_125 = tpu.memref_slice %arg3[%add3A_123] : memref<327680xi32, #tpu.memory_space<hbm>> -> memref<128xi32, #tpu.memory_space<hbm>>
      tpu.enqueue_dma source(%dma_start3A_125 : memref<128xi32, #tpu.memory_space<hbm>>) target(%arg8 : memref<128xi32, #tpu.memory_space<vmem>>) target_semaphore(%arg24 : memref<!tpu.dma_semaphore, #tpu.memory_space<semaphore_mem>>)
      %dma_start3A_126 = tpu.memref_slice %arg4[%add3A_123] : memref<327680xi32, #tpu.memory_space<hbm>> -> memref<128xi32, #tpu.memory_space<hbm>>
      %dma_start3A_127 = tpu.memref_slice %arg4[%add3A_123] : memref<327680xi32, #tpu.memory_space<hbm>> -> memref<128xi32, #tpu.memory_space<hbm>>
      tpu.enqueue_dma source(%dma_start3A_127 : memref<128xi32, #tpu.memory_space<hbm>>) target(%arg12 : memref<128xi32, #tpu.memory_space<vmem>>) target_semaphore(%arg24 : memref<!tpu.dma_semaphore, #tpu.memory_space<semaphore_mem>>)
      %get3A = arith.constant 0 : index
      %get3A_128 = tpu.vector_load %arg9[%get3A] {strides = array<i32>} : memref<128xi32, #tpu.memory_space<vmem>>, vector<16xi32>,
      %shift_right_logical3A = arith.constant 7 : i32
      %shift_right_logical3A_129 = vector.broadcast %shift_right_logical3A : i32 to vector<16xi32>
      %shift_right_logical3A_130 = arith.shrui %get3A_128, %shift_right_logical3A_129 : vector<16xi32>
      %and3A = arith.constant 127 : i32
      %and3A_131 = vector.broadcast %and3A : i32 to vector<16xi32>
      %and3A_132 = arith.andi %get3A_128, %and3A_131 : vector<16xi32>
      tpu.vector_store_idx %arg16[%shift_right_logical3A_130, %and3A_132], %broadcast_in_dim3A_43 {add = true} : memref<80x128xf32, #tpu.memory_space<vmem>>[vector<16xi32>, vector<16xi32>], vector<16xf32>,
      %get3A_133 = arith.constant 16 : index
      %get3A_134 = tpu.vector_load %arg9[%get3A_133] {strides = array<i32>} : memref<128xi32, #tpu.memory_space<vmem>>, vector<16xi32>,
      %shift_right_logical3A_135 = arith.constant 7 : i32
      %shift_right_logical3A_136 = vector.broadcast %shift_right_logical3A_135 : i32 to vector<16xi32>
      %shift_right_logical3A_137 = arith.shrui %get3A_134, %shift_right_logical3A_136 : vector<16xi32>
      %and3A_138 = arith.constant 127 : i32
      %and3A_139 = vector.broadcast %and3A_138 : i32 to vector<16xi32>
      %and3A_140 = arith.andi %get3A_134, %and3A_139 : vector<16xi32>
      tpu.vector_store_idx %arg16[%shift_right_logical3A_137, %and3A_140], %broadcast_in_dim3A_43 {add = true} : memref<80x128xf32, #tpu.memory_space<vmem>>[vector<16xi32>, vector<16xi32>], vector<16xf32>,
      %get3A_141 = arith.constant 32 : index
      %get3A_142 = tpu.vector_load %arg9[%get3A_141] {strides = array<i32>} : memref<128xi32, #tpu.memory_space<vmem>>, vector<16xi32>,
      %shift_right_logical3A_143 = arith.constant 7 : i32
      %shift_right_logical3A_144 = vector.broadcast %shift_right_logical3A_143 : i32 to vector<16xi32>
      %shift_right_logical3A_145 = arith.shrui %get3A_142, %shift_right_logical3A_144 : vector<16xi32>
      %and3A_146 = arith.constant 127 : i32
      %and3A_147 = vector.broadcast %and3A_146 : i32 to vector<16xi32>
      %and3A_148 = arith.andi %get3A_142, %and3A_147 : vector<16xi32>
      tpu.vector_store_idx %arg16[%shift_right_logical3A_145, %and3A_148], %broadcast_in_dim3A_43 {add = true} : memref<80x128xf32, #tpu.memory_space<vmem>>[vector<16xi32>, vector<16xi32>], vector<16xf32>,
      %get3A_149 = arith.constant 48 : index
      %get3A_150 = tpu.vector_load %arg9[%get3A_149] {strides = array<i32>} : memref<128xi32, #tpu.memory_space<vmem>>, vector<16xi32>,
      %shift_right_logical3A_151 = arith.constant 7 : i32
      %shift_right_logical3A_152 = vector.broadcast %shift_right_logical3A_151 : i32 to vector<16xi32>
      %shift_right_logical3A_153 = arith.shrui %get3A_150, %shift_right_logical3A_152 : vector<16xi32>
      %and3A_154 = arith.constant 127 : i32
      %and3A_155 = vector.broadcast %and3A_154 : i32 to vector<16xi32>
      %and3A_156 = arith.andi %get3A_150, %and3A_155 : vector<16xi32>
      tpu.vector_store_idx %arg16[%shift_right_logical3A_153, %and3A_156], %broadcast_in_dim3A_43 {add = true} : memref<80x128xf32, #tpu.memory_space<vmem>>[vector<16xi32>, vector<16xi32>], vector<16xf32>,
      %get3A_157 = arith.constant 64 : index
      %get3A_158 = tpu.vector_load %arg9[%get3A_157] {strides = array<i32>} : memref<128xi32, #tpu.memory_space<vmem>>, vector<16xi32>,
      %shift_right_logical3A_159 = arith.constant 7 : i32
      %shift_right_logical3A_160 = vector.broadcast %shift_right_logical3A_159 : i32 to vector<16xi32>
      %shift_right_logical3A_161 = arith.shrui %get3A_158, %shift_right_logical3A_160 : vector<16xi32>
      %and3A_162 = arith.constant 127 : i32
      %and3A_163 = vector.broadcast %and3A_162 : i32 to vector<16xi32>
      %and3A_164 = arith.andi %get3A_158, %and3A_163 : vector<16xi32>
      tpu.vector_store_idx %arg16[%shift_right_logical3A_161, %and3A_164], %broadcast_in_dim3A_43 {add = true} : memref<80x128xf32, #tpu.memory_space<vmem>>[vector<16xi32>, vector<16xi32>], vector<16xf32>,
      %get3A_165 = arith.constant 80 : index
      %get3A_166 = tpu.vector_load %arg9[%get3A_165] {strides = array<i32>} : memref<128xi32, #tpu.memory_space<vmem>>, vector<16xi32>,
      %shift_right_logical3A_167 = arith.constant 7 : i32
      %shift_right_logical3A_168 = vector.broadcast %shift_right_logical3A_167 : i32 to vector<16xi32>
      %shift_right_logical3A_169 = arith.shrui %get3A_166, %shift_right_logical3A_168 : vector<16xi32>
      %and3A_170 = arith.constant 127 : i32
      %and3A_171 = vector.broadcast %and3A_170 : i32 to vector<16xi32>
      %and3A_172 = arith.andi %get3A_166, %and3A_171 : vector<16xi32>
      tpu.vector_store_idx %arg16[%shift_right_logical3A_169, %and3A_172], %broadcast_in_dim3A_43 {add = true} : memref<80x128xf32, #tpu.memory_space<vmem>>[vector<16xi32>, vector<16xi32>], vector<16xf32>,
      %get3A_173 = arith.constant 96 : index
      %get3A_174 = tpu.vector_load %arg9[%get3A_173] {strides = array<i32>} : memref<128xi32, #tpu.memory_space<vmem>>, vector<16xi32>,
      %shift_right_logical3A_175 = arith.constant 7 : i32
      %shift_right_logical3A_176 = vector.broadcast %shift_right_logical3A_175 : i32 to vector<16xi32>
      %shift_right_logical3A_177 = arith.shrui %get3A_174, %shift_right_logical3A_176 : vector<16xi32>
      %and3A_178 = arith.constant 127 : i32
      %and3A_179 = vector.broadcast %and3A_178 : i32 to vector<16xi32>
      %and3A_180 = arith.andi %get3A_174, %and3A_179 : vector<16xi32>
      tpu.vector_store_idx %arg16[%shift_right_logical3A_177, %and3A_180], %broadcast_in_dim3A_43 {add = true} : memref<80x128xf32, #tpu.memory_space<vmem>>[vector<16xi32>, vector<16xi32>], vector<16xf32>,
      %get3A_181 = arith.constant 112 : index
      %get3A_182 = tpu.vector_load %arg9[%get3A_181] {strides = array<i32>} : memref<128xi32, #tpu.memory_space<vmem>>, vector<16xi32>,
      %shift_right_logical3A_183 = arith.constant 7 : i32
      %shift_right_logical3A_184 = vector.broadcast %shift_right_logical3A_183 : i32 to vector<16xi32>
      %shift_right_logical3A_185 = arith.shrui %get3A_182, %shift_right_logical3A_184 : vector<16xi32>
      %and3A_186 = arith.constant 127 : i32
      %and3A_187 = vector.broadcast %and3A_186 : i32 to vector<16xi32>
      %and3A_188 = arith.andi %get3A_182, %and3A_187 : vector<16xi32>
      tpu.vector_store_idx %arg16[%shift_right_logical3A_185, %and3A_188], %broadcast_in_dim3A_43 {add = true} : memref<80x128xf32, #tpu.memory_space<vmem>>[vector<16xi32>, vector<16xi32>], vector<16xf32>,
      %dma_wait3A_189 = arith.constant 0 : i32
      %dma_wait3A_190 = arith.constant 0 : i32
      %dma_wait3A_191 = tpu.memref_slice %arg18[%dma_wait3A_189, %dma_wait3A_190] : memref<10112x128xf32, #tpu.memory_space<vmem_shared>> -> memref<10112x128xf32, #tpu.memory_space<vmem_shared>>
      tpu.wait_indirect_dma semaphore(%arg22 : memref<!tpu.dma_semaphore, #tpu.memory_space<semaphore_mem>>) src(%arg14 : memref<128x128xf32, #tpu.memory_space<vmem>>) dst(%dma_wait3A_191 : memref<10112x128xf32, #tpu.memory_space<vmem_shared>>)
      %add3A_192 = arith.constant 1 : i32
      %add3A_193 = arith.addi %mul3A_92, %add3A_192 : i32
      %add3A_194 = arith.constant 1 : i32
      %add3A_195 = arith.addi %add3A_193, %add3A_194 : i32
      %mul3A_196 = arith.constant 128 : i32
      %mul3A_197 = arith.muli %add3A_195, %mul3A_196 : i32
      %add3A_198 = arith.addi %mul3A_42, %mul3A_197 : i32
      %dma_wait3A_199 = tpu.memref_slice %arg3[%add3A_198] : memref<327680xi32, #tpu.memory_space<hbm>> -> memref<128xi32, #tpu.memory_space<hbm>>
      %dma_wait3A_200 = tpu.memref_slice %arg3[%add3A_198] : memref<327680xi32, #tpu.memory_space<hbm>> -> memref<128xi32, #tpu.memory_space<hbm>>
      tpu.wait_dma2 semaphore(%arg24 : memref<!tpu.dma_semaphore, #tpu.memory_space<semaphore_mem>>) src(%dma_wait3A_200 : memref<128xi32, #tpu.memory_space<hbm>>) dst(%arg8 : memref<128xi32, #tpu.memory_space<vmem>>)
      %dma_wait3A_201 = tpu.memref_slice %arg4[%add3A_198] : memref<327680xi32, #tpu.memory_space<hbm>> -> memref<128xi32, #tpu.memory_space<hbm>>
      %dma_wait3A_202 = tpu.memref_slice %arg4[%add3A_198] : memref<327680xi32, #tpu.memory_space<hbm>> -> memref<128xi32, #tpu.memory_space<hbm>>
      tpu.wait_dma2 semaphore(%arg24 : memref<!tpu.dma_semaphore, #tpu.memory_space<semaphore_mem>>) src(%dma_wait3A_202 : memref<128xi32, #tpu.memory_space<hbm>>) dst(%arg12 : memref<128xi32, #tpu.memory_space<vmem>>)
      %dma_start3A_203 = arith.constant 0 : i32
      %dma_start3A_204 = arith.constant 0 : i32
      %dma_start3A_205 = tpu.memref_slice %arg2[%dma_start3A_203, %dma_start3A_204] : memref<20001x128xf32, #tpu.memory_space<hbm>> -> memref<20001x128xf32, #tpu.memory_space<hbm>>
      tpu.enqueue_indirect_dma source(%dma_start3A_205 : memref<20001x128xf32, #tpu.memory_space<hbm>>) target(%arg14 : memref<128x128xf32, #tpu.memory_space<vmem>>) offsets(%arg8 : memref<128xi32, #tpu.memory_space<vmem>>) semaphore(%arg20 : memref<!tpu.dma_semaphore, #tpu.memory_space<semaphore_mem>>)
      %dma_wait3A_206 = arith.constant 0 : i32
      %dma_wait3A_207 = arith.constant 0 : i32
      %dma_wait3A_208 = tpu.memref_slice %arg2[%dma_wait3A_206, %dma_wait3A_207] : memref<20001x128xf32, #tpu.memory_space<hbm>> -> memref<20001x128xf32, #tpu.memory_space<hbm>>
      tpu.wait_indirect_dma semaphore(%arg21 : memref<!tpu.dma_semaphore, #tpu.memory_space<semaphore_mem>>) src(%dma_wait3A_208 : memref<20001x128xf32, #tpu.memory_space<hbm>>) dst(%arg15 : memref<128x128xf32, #tpu.memory_space<vmem>>)
      %dma_start3A_209 = arith.constant 0 : i32
      %dma_start3A_210 = arith.constant 0 : i32
      %dma_start3A_211 = tpu.memref_slice %arg18[%dma_start3A_209, %dma_start3A_210] : memref<10112x128xf32, #tpu.memory_space<vmem_shared>> -> memref<10112x128xf32, #tpu.memory_space<vmem_shared>>
      tpu.enqueue_indirect_dma source(%arg15 : memref<128x128xf32, #tpu.memory_space<vmem>>) target(%dma_start3A_211 : memref<10112x128xf32, #tpu.memory_space<vmem_shared>>) offsets(%arg11 : memref<128xi32, #tpu.memory_space<vmem>>) semaphore(%arg23 : memref<!tpu.dma_semaphore, #tpu.memory_space<semaphore_mem>>) {add = true}
      %add3A_212 = arith.constant 1 : i32
      %add3A_213 = arith.addi %mul3A_92, %add3A_212 : i32
      %add3A_214 = arith.constant 2 : i32
      %add3A_215 = arith.addi %add3A_213, %add3A_214 : i32
      %mul3A_216 = arith.constant 128 : i32
      %mul3A_217 = arith.muli %add3A_215, %mul3A_216 : i32
      %add3A_218 = arith.addi %mul3A_42, %mul3A_217 : i32
      %dma_start3A_219 = tpu.memref_slice %arg3[%add3A_218] : memref<327680xi32, #tpu.memory_space<hbm>> -> memref<128xi32, #tpu.memory_space<hbm>>
      %dma_start3A_220 = tpu.memref_slice %arg3[%add3A_218] : memref<327680xi32, #tpu.memory_space<hbm>> -> memref<128xi32, #tpu.memory_space<hbm>>
      tpu.enqueue_dma source(%dma_start3A_220 : memref<128xi32, #tpu.memory_space<hbm>>) target(%arg10 : memref<128xi32, #tpu.memory_space<vmem>>) target_semaphore(%arg25 : memref<!tpu.dma_semaphore, #tpu.memory_space<semaphore_mem>>)
      %dma_start3A_221 = tpu.memref_slice %arg4[%add3A_218] : memref<327680xi32, #tpu.memory_space<hbm>> -> memref<128xi32, #tpu.memory_space<hbm>>
      %dma_start3A_222 = tpu.memref_slice %arg4[%add3A_218] : memref<327680xi32, #tpu.memory_space<hbm>> -> memref<128xi32, #tpu.memory_space<hbm>>
      tpu.enqueue_dma source(%dma_start3A_222 : memref<128xi32, #tpu.memory_space<hbm>>) target(%arg13 : memref<128xi32, #tpu.memory_space<vmem>>) target_semaphore(%arg25 : memref<!tpu.dma_semaphore, #tpu.memory_space<semaphore_mem>>)
      %get3A_223 = arith.constant 0 : index
      %get3A_224 = tpu.vector_load %arg11[%get3A_223] {strides = array<i32>} : memref<128xi32, #tpu.memory_space<vmem>>, vector<16xi32>,
      %shift_right_logical3A_225 = arith.constant 7 : i32
      %shift_right_logical3A_226 = vector.broadcast %shift_right_logical3A_225 : i32 to vector<16xi32>
      %shift_right_logical3A_227 = arith.shrui %get3A_224, %shift_right_logical3A_226 : vector<16xi32>
      %and3A_228 = arith.constant 127 : i32
      %and3A_229 = vector.broadcast %and3A_228 : i32 to vector<16xi32>
      %and3A_230 = arith.andi %get3A_224, %and3A_229 : vector<16xi32>
      tpu.vector_store_idx %arg16[%shift_right_logical3A_227, %and3A_230], %broadcast_in_dim3A_43 {add = true} : memref<80x128xf32, #tpu.memory_space<vmem>>[vector<16xi32>, vector<16xi32>], vector<16xf32>,
      %get3A_231 = arith.constant 16 : index
      %get3A_232 = tpu.vector_load %arg11[%get3A_231] {strides = array<i32>} : memref<128xi32, #tpu.memory_space<vmem>>, vector<16xi32>,
      %shift_right_logical3A_233 = arith.constant 7 : i32
      %shift_right_logical3A_234 = vector.broadcast %shift_right_logical3A_233 : i32 to vector<16xi32>
      %shift_right_logical3A_235 = arith.shrui %get3A_232, %shift_right_logical3A_234 : vector<16xi32>
      %and3A_236 = arith.constant 127 : i32
      %and3A_237 = vector.broadcast %and3A_236 : i32 to vector<16xi32>
      %and3A_238 = arith.andi %get3A_232, %and3A_237 : vector<16xi32>
      tpu.vector_store_idx %arg16[%shift_right_logical3A_235, %and3A_238], %broadcast_in_dim3A_43 {add = true} : memref<80x128xf32, #tpu.memory_space<vmem>>[vector<16xi32>, vector<16xi32>], vector<16xf32>,
      %get3A_239 = arith.constant 32 : index
      %get3A_240 = tpu.vector_load %arg11[%get3A_239] {strides = array<i32>} : memref<128xi32, #tpu.memory_space<vmem>>, vector<16xi32>,
      %shift_right_logical3A_241 = arith.constant 7 : i32
      %shift_right_logical3A_242 = vector.broadcast %shift_right_logical3A_241 : i32 to vector<16xi32>
      %shift_right_logical3A_243 = arith.shrui %get3A_240, %shift_right_logical3A_242 : vector<16xi32>
      %and3A_244 = arith.constant 127 : i32
      %and3A_245 = vector.broadcast %and3A_244 : i32 to vector<16xi32>
      %and3A_246 = arith.andi %get3A_240, %and3A_245 : vector<16xi32>
      tpu.vector_store_idx %arg16[%shift_right_logical3A_243, %and3A_246], %broadcast_in_dim3A_43 {add = true} : memref<80x128xf32, #tpu.memory_space<vmem>>[vector<16xi32>, vector<16xi32>], vector<16xf32>,
      %get3A_247 = arith.constant 48 : index
      %get3A_248 = tpu.vector_load %arg11[%get3A_247] {strides = array<i32>} : memref<128xi32, #tpu.memory_space<vmem>>, vector<16xi32>,
      %shift_right_logical3A_249 = arith.constant 7 : i32
      %shift_right_logical3A_250 = vector.broadcast %shift_right_logical3A_249 : i32 to vector<16xi32>
      %shift_right_logical3A_251 = arith.shrui %get3A_248, %shift_right_logical3A_250 : vector<16xi32>
      %and3A_252 = arith.constant 127 : i32
      %and3A_253 = vector.broadcast %and3A_252 : i32 to vector<16xi32>
      %and3A_254 = arith.andi %get3A_248, %and3A_253 : vector<16xi32>
      tpu.vector_store_idx %arg16[%shift_right_logical3A_251, %and3A_254], %broadcast_in_dim3A_43 {add = true} : memref<80x128xf32, #tpu.memory_space<vmem>>[vector<16xi32>, vector<16xi32>], vector<16xf32>,
      %get3A_255 = arith.constant 64 : index
      %get3A_256 = tpu.vector_load %arg11[%get3A_255] {strides = array<i32>} : memref<128xi32, #tpu.memory_space<vmem>>, vector<16xi32>,
      %shift_right_logical3A_257 = arith.constant 7 : i32
      %shift_right_logical3A_258 = vector.broadcast %shift_right_logical3A_257 : i32 to vector<16xi32>
      %shift_right_logical3A_259 = arith.shrui %get3A_256, %shift_right_logical3A_258 : vector<16xi32>
      %and3A_260 = arith.constant 127 : i32
      %and3A_261 = vector.broadcast %and3A_260 : i32 to vector<16xi32>
      %and3A_262 = arith.andi %get3A_256, %and3A_261 : vector<16xi32>
      tpu.vector_store_idx %arg16[%shift_right_logical3A_259, %and3A_262], %broadcast_in_dim3A_43 {add = true} : memref<80x128xf32, #tpu.memory_space<vmem>>[vector<16xi32>, vector<16xi32>], vector<16xf32>,
      %get3A_263 = arith.constant 80 : index
      %get3A_264 = tpu.vector_load %arg11[%get3A_263] {strides = array<i32>} : memref<128xi32, #tpu.memory_space<vmem>>, vector<16xi32>,
      %shift_right_logical3A_265 = arith.constant 7 : i32
      %shift_right_logical3A_266 = vector.broadcast %shift_right_logical3A_265 : i32 to vector<16xi32>
      %shift_right_logical3A_267 = arith.shrui %get3A_264, %shift_right_logical3A_266 : vector<16xi32>
      %and3A_268 = arith.constant 127 : i32
      %and3A_269 = vector.broadcast %and3A_268 : i32 to vector<16xi32>
      %and3A_270 = arith.andi %get3A_264, %and3A_269 : vector<16xi32>
      tpu.vector_store_idx %arg16[%shift_right_logical3A_267, %and3A_270], %broadcast_in_dim3A_43 {add = true} : memref<80x128xf32, #tpu.memory_space<vmem>>[vector<16xi32>, vector<16xi32>], vector<16xf32>,
      %get3A_271 = arith.constant 96 : index
      %get3A_272 = tpu.vector_load %arg11[%get3A_271] {strides = array<i32>} : memref<128xi32, #tpu.memory_space<vmem>>, vector<16xi32>,
      %shift_right_logical3A_273 = arith.constant 7 : i32
      %shift_right_logical3A_274 = vector.broadcast %shift_right_logical3A_273 : i32 to vector<16xi32>
      %shift_right_logical3A_275 = arith.shrui %get3A_272, %shift_right_logical3A_274 : vector<16xi32>
      %and3A_276 = arith.constant 127 : i32
      %and3A_277 = vector.broadcast %and3A_276 : i32 to vector<16xi32>
      %and3A_278 = arith.andi %get3A_272, %and3A_277 : vector<16xi32>
      tpu.vector_store_idx %arg16[%shift_right_logical3A_275, %and3A_278], %broadcast_in_dim3A_43 {add = true} : memref<80x128xf32, #tpu.memory_space<vmem>>[vector<16xi32>, vector<16xi32>], vector<16xf32>,
      %get3A_279 = arith.constant 112 : index
      %get3A_280 = tpu.vector_load %arg11[%get3A_279] {strides = array<i32>} : memref<128xi32, #tpu.memory_space<vmem>>, vector<16xi32>,
      %shift_right_logical3A_281 = arith.constant 7 : i32
      %shift_right_logical3A_282 = vector.broadcast %shift_right_logical3A_281 : i32 to vector<16xi32>
      %shift_right_logical3A_283 = arith.shrui %get3A_280, %shift_right_logical3A_282 : vector<16xi32>
      %and3A_284 = arith.constant 127 : i32
      %and3A_285 = vector.broadcast %and3A_284 : i32 to vector<16xi32>
      %and3A_286 = arith.andi %get3A_280, %and3A_285 : vector<16xi32>
      tpu.vector_store_idx %arg16[%shift_right_logical3A_283, %and3A_286], %broadcast_in_dim3A_43 {add = true} : memref<80x128xf32, #tpu.memory_space<vmem>>[vector<16xi32>, vector<16xi32>], vector<16xf32>,
      %dma_wait3A_287 = arith.constant 0 : i32
      %dma_wait3A_288 = arith.constant 0 : i32
      %dma_wait3A_289 = tpu.memref_slice %arg18[%dma_wait3A_287, %dma_wait3A_288] : memref<10112x128xf32, #tpu.memory_space<vmem_shared>> -> memref<10112x128xf32, #tpu.memory_space<vmem_shared>>
      tpu.wait_indirect_dma semaphore(%arg23 : memref<!tpu.dma_semaphore, #tpu.memory_space<semaphore_mem>>) src(%arg15 : memref<128x128xf32, #tpu.memory_space<vmem>>) dst(%dma_wait3A_289 : memref<10112x128xf32, #tpu.memory_space<vmem_shared>>)
      %add3A_290 = arith.constant 2 : i32
      %add3A_291 = arith.addi %mul3A_92, %add3A_290 : i32
      %add3A_292 = arith.constant 1 : i32
      %add3A_293 = arith.addi %add3A_291, %add3A_292 : i32
      %mul3A_294 = arith.constant 128 : i32
      %mul3A_295 = arith.muli %add3A_293, %mul3A_294 : i32
      %add3A_296 = arith.addi %mul3A_42, %mul3A_295 : i32
      %dma_wait3A_297 = tpu.memref_slice %arg3[%add3A_296] : memref<327680xi32, #tpu.memory_space<hbm>> -> memref<128xi32, #tpu.memory_space<hbm>>
      %dma_wait3A_298 = tpu.memref_slice %arg3[%add3A_296] : memref<327680xi32, #tpu.memory_space<hbm>> -> memref<128xi32, #tpu.memory_space<hbm>>
      tpu.wait_dma2 semaphore(%arg25 : memref<!tpu.dma_semaphore, #tpu.memory_space<semaphore_mem>>) src(%dma_wait3A_298 : memref<128xi32, #tpu.memory_space<hbm>>) dst(%arg10 : memref<128xi32, #tpu.memory_space<vmem>>)
      %dma_wait3A_299 = tpu.memref_slice %arg4[%add3A_296] : memref<327680xi32, #tpu.memory_space<hbm>> -> memref<128xi32, #tpu.memory_space<hbm>>
      %dma_wait3A_300 = tpu.memref_slice %arg4[%add3A_296] : memref<327680xi32, #tpu.memory_space<hbm>> -> memref<128xi32, #tpu.memory_space<hbm>>
      tpu.wait_dma2 semaphore(%arg25 : memref<!tpu.dma_semaphore, #tpu.memory_space<semaphore_mem>>) src(%dma_wait3A_300 : memref<128xi32, #tpu.memory_space<hbm>>) dst(%arg13 : memref<128xi32, #tpu.memory_space<vmem>>)
      %dma_start3A_301 = arith.constant 0 : i32
      %dma_start3A_302 = arith.constant 0 : i32
      %dma_start3A_303 = tpu.memref_slice %arg2[%dma_start3A_301, %dma_start3A_302] : memref<20001x128xf32, #tpu.memory_space<hbm>> -> memref<20001x128xf32, #tpu.memory_space<hbm>>
      tpu.enqueue_indirect_dma source(%dma_start3A_303 : memref<20001x128xf32, #tpu.memory_space<hbm>>) target(%arg15 : memref<128x128xf32, #tpu.memory_space<vmem>>) offsets(%arg10 : memref<128xi32, #tpu.memory_space<vmem>>) semaphore(%arg21 : memref<!tpu.dma_semaphore, #tpu.memory_space<semaphore_mem>>)
      %dma_wait3A_304 = arith.constant 0 : i32
      %dma_wait3A_305 = arith.constant 0 : i32
      %dma_wait3A_306 = tpu.memref_slice %arg2[%dma_wait3A_304, %dma_wait3A_305] : memref<20001x128xf32, #tpu.memory_space<hbm>> -> memref<20001x128xf32, #tpu.memory_space<hbm>>
      tpu.wait_indirect_dma semaphore(%arg20 : memref<!tpu.dma_semaphore, #tpu.memory_space<semaphore_mem>>) src(%dma_wait3A_306 : memref<20001x128xf32, #tpu.memory_space<hbm>>) dst(%arg14 : memref<128x128xf32, #tpu.memory_space<vmem>>)
      %dma_start3A_307 = arith.constant 0 : i32
      %dma_start3A_308 = arith.constant 0 : i32
      %dma_start3A_309 = tpu.memref_slice %arg18[%dma_start3A_307, %dma_start3A_308] : memref<10112x128xf32, #tpu.memory_space<vmem_shared>> -> memref<10112x128xf32, #tpu.memory_space<vmem_shared>>
      tpu.enqueue_indirect_dma source(%arg14 : memref<128x128xf32, #tpu.memory_space<vmem>>) target(%dma_start3A_309 : memref<10112x128xf32, #tpu.memory_space<vmem_shared>>) offsets(%arg12 : memref<128xi32, #tpu.memory_space<vmem>>) semaphore(%arg22 : memref<!tpu.dma_semaphore, #tpu.memory_space<semaphore_mem>>) {add = true}
      %lt3A = arith.constant 19 : i32
      %lt3A_310 = arith.cmpi slt, %scan3A_90, %lt3A : i32
      %convert_element_type3A_311 = arith.extui %lt3A_310 : i1 to i32
      %cond3A_312 = arith.constant 0 : i32
      %cond3A_313 = arith.cmpi ne, %convert_element_type3A_311, %cond3A_312 : i32
      scf.if %cond3A_313 {
        %add3A_461 = arith.constant 2 : i32
        %add3A_462 = arith.addi %mul3A_92, %add3A_461 : i32
        %add3A_463 = arith.constant 2 : i32
        %add3A_464 = arith.addi %add3A_462, %add3A_463 : i32
        %mul3A_465 = arith.constant 128 : i32
        %mul3A_466 = arith.muli %add3A_464, %mul3A_465 : i32
        %add3A_467 = arith.addi %mul3A_42, %mul3A_466 : i32
        %dma_start3A_468 = tpu.memref_slice %arg3[%add3A_467] : memref<327680xi32, #tpu.memory_space<hbm>> -> memref<128xi32, #tpu.memory_space<hbm>>
        %dma_start3A_469 = tpu.memref_slice %arg3[%add3A_467] : memref<327680xi32, #tpu.memory_space<hbm>> -> memref<128xi32, #tpu.memory_space<hbm>>
        tpu.enqueue_dma source(%dma_start3A_469 : memref<128xi32, #tpu.memory_space<hbm>>) target(%arg8 : memref<128xi32, #tpu.memory_space<vmem>>) target_semaphore(%arg24 : memref<!tpu.dma_semaphore, #tpu.memory_space<semaphore_mem>>)
        %dma_start3A_470 = tpu.memref_slice %arg4[%add3A_467] : memref<327680xi32, #tpu.memory_space<hbm>> -> memref<128xi32, #tpu.memory_space<hbm>>
        %dma_start3A_471 = tpu.memref_slice %arg4[%add3A_467] : memref<327680xi32, #tpu.memory_space<hbm>> -> memref<128xi32, #tpu.memory_space<hbm>>
        tpu.enqueue_dma source(%dma_start3A_471 : memref<128xi32, #tpu.memory_space<hbm>>) target(%arg9 : memref<128xi32, #tpu.memory_space<vmem>>) target_semaphore(%arg24 : memref<!tpu.dma_semaphore, #tpu.memory_space<semaphore_mem>>)
      } else {
      }
      %get3A_314 = arith.constant 0 : index
      %get3A_315 = tpu.vector_load %arg12[%get3A_314] {strides = array<i32>} : memref<128xi32, #tpu.memory_space<vmem>>, vector<16xi32>,
      %shift_right_logical3A_316 = arith.constant 7 : i32
      %shift_right_logical3A_317 = vector.broadcast %shift_right_logical3A_316 : i32 to vector<16xi32>
      %shift_right_logical3A_318 = arith.shrui %get3A_315, %shift_right_logical3A_317 : vector<16xi32>
      %and3A_319 = arith.constant 127 : i32
      %and3A_320 = vector.broadcast %and3A_319 : i32 to vector<16xi32>
      %and3A_321 = arith.andi %get3A_315, %and3A_320 : vector<16xi32>
      tpu.vector_store_idx %arg16[%shift_right_logical3A_318, %and3A_321], %broadcast_in_dim3A_43 {add = true} : memref<80x128xf32, #tpu.memory_space<vmem>>[vector<16xi32>, vector<16xi32>], vector<16xf32>,
      %get3A_322 = arith.constant 16 : index
      %get3A_323 = tpu.vector_load %arg12[%get3A_322] {strides = array<i32>} : memref<128xi32, #tpu.memory_space<vmem>>, vector<16xi32>,
      %shift_right_logical3A_324 = arith.constant 7 : i32
      %shift_right_logical3A_325 = vector.broadcast %shift_right_logical3A_324 : i32 to vector<16xi32>
      %shift_right_logical3A_326 = arith.shrui %get3A_323, %shift_right_logical3A_325 : vector<16xi32>
      %and3A_327 = arith.constant 127 : i32
      %and3A_328 = vector.broadcast %and3A_327 : i32 to vector<16xi32>
      %and3A_329 = arith.andi %get3A_323, %and3A_328 : vector<16xi32>
      tpu.vector_store_idx %arg16[%shift_right_logical3A_326, %and3A_329], %broadcast_in_dim3A_43 {add = true} : memref<80x128xf32, #tpu.memory_space<vmem>>[vector<16xi32>, vector<16xi32>], vector<16xf32>,
      %get3A_330 = arith.constant 32 : index
      %get3A_331 = tpu.vector_load %arg12[%get3A_330] {strides = array<i32>} : memref<128xi32, #tpu.memory_space<vmem>>, vector<16xi32>,
      %shift_right_logical3A_332 = arith.constant 7 : i32
      %shift_right_logical3A_333 = vector.broadcast %shift_right_logical3A_332 : i32 to vector<16xi32>
      %shift_right_logical3A_334 = arith.shrui %get3A_331, %shift_right_logical3A_333 : vector<16xi32>
      %and3A_335 = arith.constant 127 : i32
      %and3A_336 = vector.broadcast %and3A_335 : i32 to vector<16xi32>
      %and3A_337 = arith.andi %get3A_331, %and3A_336 : vector<16xi32>
      tpu.vector_store_idx %arg16[%shift_right_logical3A_334, %and3A_337], %broadcast_in_dim3A_43 {add = true} : memref<80x128xf32, #tpu.memory_space<vmem>>[vector<16xi32>, vector<16xi32>], vector<16xf32>,
      %get3A_338 = arith.constant 48 : index
      %get3A_339 = tpu.vector_load %arg12[%get3A_338] {strides = array<i32>} : memref<128xi32, #tpu.memory_space<vmem>>, vector<16xi32>,
      %shift_right_logical3A_340 = arith.constant 7 : i32
      %shift_right_logical3A_341 = vector.broadcast %shift_right_logical3A_340 : i32 to vector<16xi32>
      %shift_right_logical3A_342 = arith.shrui %get3A_339, %shift_right_logical3A_341 : vector<16xi32>
      %and3A_343 = arith.constant 127 : i32
      %and3A_344 = vector.broadcast %and3A_343 : i32 to vector<16xi32>
      %and3A_345 = arith.andi %get3A_339, %and3A_344 : vector<16xi32>
      tpu.vector_store_idx %arg16[%shift_right_logical3A_342, %and3A_345], %broadcast_in_dim3A_43 {add = true} : memref<80x128xf32, #tpu.memory_space<vmem>>[vector<16xi32>, vector<16xi32>], vector<16xf32>,
      %get3A_346 = arith.constant 64 : index
      %get3A_347 = tpu.vector_load %arg12[%get3A_346] {strides = array<i32>} : memref<128xi32, #tpu.memory_space<vmem>>, vector<16xi32>,
      %shift_right_logical3A_348 = arith.constant 7 : i32
      %shift_right_logical3A_349 = vector.broadcast %shift_right_logical3A_348 : i32 to vector<16xi32>
      %shift_right_logical3A_350 = arith.shrui %get3A_347, %shift_right_logical3A_349 : vector<16xi32>
      %and3A_351 = arith.constant 127 : i32
      %and3A_352 = vector.broadcast %and3A_351 : i32 to vector<16xi32>
      %and3A_353 = arith.andi %get3A_347, %and3A_352 : vector<16xi32>
      tpu.vector_store_idx %arg16[%shift_right_logical3A_350, %and3A_353], %broadcast_in_dim3A_43 {add = true} : memref<80x128xf32, #tpu.memory_space<vmem>>[vector<16xi32>, vector<16xi32>], vector<16xf32>,
      %get3A_354 = arith.constant 80 : index
      %get3A_355 = tpu.vector_load %arg12[%get3A_354] {strides = array<i32>} : memref<128xi32, #tpu.memory_space<vmem>>, vector<16xi32>,
      %shift_right_logical3A_356 = arith.constant 7 : i32
      %shift_right_logical3A_357 = vector.broadcast %shift_right_logical3A_356 : i32 to vector<16xi32>
      %shift_right_logical3A_358 = arith.shrui %get3A_355, %shift_right_logical3A_357 : vector<16xi32>
      %and3A_359 = arith.constant 127 : i32
      %and3A_360 = vector.broadcast %and3A_359 : i32 to vector<16xi32>
      %and3A_361 = arith.andi %get3A_355, %and3A_360 : vector<16xi32>
      tpu.vector_store_idx %arg16[%shift_right_logical3A_358, %and3A_361], %broadcast_in_dim3A_43 {add = true} : memref<80x128xf32, #tpu.memory_space<vmem>>[vector<16xi32>, vector<16xi32>], vector<16xf32>,
      %get3A_362 = arith.constant 96 : index
      %get3A_363 = tpu.vector_load %arg12[%get3A_362] {strides = array<i32>} : memref<128xi32, #tpu.memory_space<vmem>>, vector<16xi32>,
      %shift_right_logical3A_364 = arith.constant 7 : i32
      %shift_right_logical3A_365 = vector.broadcast %shift_right_logical3A_364 : i32 to vector<16xi32>
      %shift_right_logical3A_366 = arith.shrui %get3A_363, %shift_right_logical3A_365 : vector<16xi32>
      %and3A_367 = arith.constant 127 : i32
      %and3A_368 = vector.broadcast %and3A_367 : i32 to vector<16xi32>
      %and3A_369 = arith.andi %get3A_363, %and3A_368 : vector<16xi32>
      tpu.vector_store_idx %arg16[%shift_right_logical3A_366, %and3A_369], %broadcast_in_dim3A_43 {add = true} : memref<80x128xf32, #tpu.memory_space<vmem>>[vector<16xi32>, vector<16xi32>], vector<16xf32>,
      %get3A_370 = arith.constant 112 : index
      %get3A_371 = tpu.vector_load %arg12[%get3A_370] {strides = array<i32>} : memref<128xi32, #tpu.memory_space<vmem>>, vector<16xi32>,
      %shift_right_logical3A_372 = arith.constant 7 : i32
      %shift_right_logical3A_373 = vector.broadcast %shift_right_logical3A_372 : i32 to vector<16xi32>
      %shift_right_logical3A_374 = arith.shrui %get3A_371, %shift_right_logical3A_373 : vector<16xi32>
      %and3A_375 = arith.constant 127 : i32
      %and3A_376 = vector.broadcast %and3A_375 : i32 to vector<16xi32>
      %and3A_377 = arith.andi %get3A_371, %and3A_376 : vector<16xi32>
      tpu.vector_store_idx %arg16[%shift_right_logical3A_374, %and3A_377], %broadcast_in_dim3A_43 {add = true} : memref<80x128xf32, #tpu.memory_space<vmem>>[vector<16xi32>, vector<16xi32>], vector<16xf32>,
      %dma_wait3A_378 = arith.constant 0 : i32
      %dma_wait3A_379 = arith.constant 0 : i32
      %dma_wait3A_380 = tpu.memref_slice %arg18[%dma_wait3A_378, %dma_wait3A_379] : memref<10112x128xf32, #tpu.memory_space<vmem_shared>> -> memref<10112x128xf32, #tpu.memory_space<vmem_shared>>
      tpu.wait_indirect_dma semaphore(%arg22 : memref<!tpu.dma_semaphore, #tpu.memory_space<semaphore_mem>>) src(%arg14 : memref<128x128xf32, #tpu.memory_space<vmem>>) dst(%dma_wait3A_380 : memref<10112x128xf32, #tpu.memory_space<vmem_shared>>)
      %lt3A_381 = arith.constant 19 : i32
      %lt3A_382 = arith.cmpi slt, %scan3A_90, %lt3A_381 : i32
      %convert_element_type3A_383 = arith.extui %lt3A_382 : i1 to i32
      %cond3A_384 = arith.constant 0 : i32
      %cond3A_385 = arith.cmpi ne, %convert_element_type3A_383, %cond3A_384 : i32
      scf.if %cond3A_385 {
        %add3A_461 = arith.constant 3 : i32
        %add3A_462 = arith.addi %mul3A_92, %add3A_461 : i32
        %add3A_463 = arith.constant 1 : i32
        %add3A_464 = arith.addi %add3A_462, %add3A_463 : i32
        %mul3A_465 = arith.constant 128 : i32
        %mul3A_466 = arith.muli %add3A_464, %mul3A_465 : i32
        %add3A_467 = arith.addi %mul3A_42, %mul3A_466 : i32
        %dma_wait3A_468 = tpu.memref_slice %arg3[%add3A_467] : memref<327680xi32, #tpu.memory_space<hbm>> -> memref<128xi32, #tpu.memory_space<hbm>>
        %dma_wait3A_469 = tpu.memref_slice %arg3[%add3A_467] : memref<327680xi32, #tpu.memory_space<hbm>> -> memref<128xi32, #tpu.memory_space<hbm>>
        tpu.wait_dma2 semaphore(%arg24 : memref<!tpu.dma_semaphore, #tpu.memory_space<semaphore_mem>>) src(%dma_wait3A_469 : memref<128xi32, #tpu.memory_space<hbm>>) dst(%arg8 : memref<128xi32, #tpu.memory_space<vmem>>)
        %dma_wait3A_470 = tpu.memref_slice %arg4[%add3A_467] : memref<327680xi32, #tpu.memory_space<hbm>> -> memref<128xi32, #tpu.memory_space<hbm>>
        %dma_wait3A_471 = tpu.memref_slice %arg4[%add3A_467] : memref<327680xi32, #tpu.memory_space<hbm>> -> memref<128xi32, #tpu.memory_space<hbm>>
        tpu.wait_dma2 semaphore(%arg24 : memref<!tpu.dma_semaphore, #tpu.memory_space<semaphore_mem>>) src(%dma_wait3A_471 : memref<128xi32, #tpu.memory_space<hbm>>) dst(%arg9 : memref<128xi32, #tpu.memory_space<vmem>>)
        %dma_start3A_472 = arith.constant 0 : i32
        %dma_start3A_473 = arith.constant 0 : i32
        %dma_start3A_474 = tpu.memref_slice %arg2[%dma_start3A_472, %dma_start3A_473] : memref<20001x128xf32, #tpu.memory_space<hbm>> -> memref<20001x128xf32, #tpu.memory_space<hbm>>
        tpu.enqueue_indirect_dma source(%dma_start3A_474 : memref<20001x128xf32, #tpu.memory_space<hbm>>) target(%arg14 : memref<128x128xf32, #tpu.memory_space<vmem>>) offsets(%arg8 : memref<128xi32, #tpu.memory_space<vmem>>) semaphore(%arg20 : memref<!tpu.dma_semaphore, #tpu.memory_space<semaphore_mem>>)
      } else {
      }
      %dma_wait3A_386 = arith.constant 0 : i32
      %dma_wait3A_387 = arith.constant 0 : i32
      %dma_wait3A_388 = tpu.memref_slice %arg2[%dma_wait3A_386, %dma_wait3A_387] : memref<20001x128xf32, #tpu.memory_space<hbm>> -> memref<20001x128xf32, #tpu.memory_space<hbm>>
      tpu.wait_indirect_dma semaphore(%arg21 : memref<!tpu.dma_semaphore, #tpu.memory_space<semaphore_mem>>) src(%dma_wait3A_388 : memref<20001x128xf32, #tpu.memory_space<hbm>>) dst(%arg15 : memref<128x128xf32, #tpu.memory_space<vmem>>)
      %dma_start3A_389 = arith.constant 0 : i32
      %dma_start3A_390 = arith.constant 0 : i32
      %dma_start3A_391 = tpu.memref_slice %arg18[%dma_start3A_389, %dma_start3A_390] : memref<10112x128xf32, #tpu.memory_space<vmem_shared>> -> memref<10112x128xf32, #tpu.memory_space<vmem_shared>>
      tpu.enqueue_indirect_dma source(%arg15 : memref<128x128xf32, #tpu.memory_space<vmem>>) target(%dma_start3A_391 : memref<10112x128xf32, #tpu.memory_space<vmem_shared>>) offsets(%arg13 : memref<128xi32, #tpu.memory_space<vmem>>) semaphore(%arg23 : memref<!tpu.dma_semaphore, #tpu.memory_space<semaphore_mem>>) {add = true}
      %lt3A_392 = arith.constant 19 : i32
      %lt3A_393 = arith.cmpi slt, %scan3A_90, %lt3A_392 : i32
      %convert_element_type3A_394 = arith.extui %lt3A_393 : i1 to i32
      %cond3A_395 = arith.constant 0 : i32
      %cond3A_396 = arith.cmpi ne, %convert_element_type3A_394, %cond3A_395 : i32
      scf.if %cond3A_396 {
        %add3A_461 = arith.constant 3 : i32
        %add3A_462 = arith.addi %mul3A_92, %add3A_461 : i32
        %add3A_463 = arith.constant 2 : i32
        %add3A_464 = arith.addi %add3A_462, %add3A_463 : i32
        %mul3A_465 = arith.constant 128 : i32
        %mul3A_466 = arith.muli %add3A_464, %mul3A_465 : i32
        %add3A_467 = arith.addi %mul3A_42, %mul3A_466 : i32
        %dma_start3A_468 = tpu.memref_slice %arg3[%add3A_467] : memref<327680xi32, #tpu.memory_space<hbm>> -> memref<128xi32, #tpu.memory_space<hbm>>
        %dma_start3A_469 = tpu.memref_slice %arg3[%add3A_467] : memref<327680xi32, #tpu.memory_space<hbm>> -> memref<128xi32, #tpu.memory_space<hbm>>
        tpu.enqueue_dma source(%dma_start3A_469 : memref<128xi32, #tpu.memory_space<hbm>>) target(%arg10 : memref<128xi32, #tpu.memory_space<vmem>>) target_semaphore(%arg25 : memref<!tpu.dma_semaphore, #tpu.memory_space<semaphore_mem>>)
        %dma_start3A_470 = tpu.memref_slice %arg4[%add3A_467] : memref<327680xi32, #tpu.memory_space<hbm>> -> memref<128xi32, #tpu.memory_space<hbm>>
        %dma_start3A_471 = tpu.memref_slice %arg4[%add3A_467] : memref<327680xi32, #tpu.memory_space<hbm>> -> memref<128xi32, #tpu.memory_space<hbm>>
        tpu.enqueue_dma source(%dma_start3A_471 : memref<128xi32, #tpu.memory_space<hbm>>) target(%arg11 : memref<128xi32, #tpu.memory_space<vmem>>) target_semaphore(%arg25 : memref<!tpu.dma_semaphore, #tpu.memory_space<semaphore_mem>>)
      } else {
      }
      %get3A_397 = arith.constant 0 : index
      %get3A_398 = tpu.vector_load %arg13[%get3A_397] {strides = array<i32>} : memref<128xi32, #tpu.memory_space<vmem>>, vector<16xi32>,
      %shift_right_logical3A_399 = arith.constant 7 : i32
      %shift_right_logical3A_400 = vector.broadcast %shift_right_logical3A_399 : i32 to vector<16xi32>
      %shift_right_logical3A_401 = arith.shrui %get3A_398, %shift_right_logical3A_400 : vector<16xi32>
      %and3A_402 = arith.constant 127 : i32
      %and3A_403 = vector.broadcast %and3A_402 : i32 to vector<16xi32>
      %and3A_404 = arith.andi %get3A_398, %and3A_403 : vector<16xi32>
      tpu.vector_store_idx %arg16[%shift_right_logical3A_401, %and3A_404], %broadcast_in_dim3A_43 {add = true} : memref<80x128xf32, #tpu.memory_space<vmem>>[vector<16xi32>, vector<16xi32>], vector<16xf32>,
      %get3A_405 = arith.constant 16 : index
      %get3A_406 = tpu.vector_load %arg13[%get3A_405] {strides = array<i32>} : memref<128xi32, #tpu.memory_space<vmem>>, vector<16xi32>,
      %shift_right_logical3A_407 = arith.constant 7 : i32
      %shift_right_logical3A_408 = vector.broadcast %shift_right_logical3A_407 : i32 to vector<16xi32>
      %shift_right_logical3A_409 = arith.shrui %get3A_406, %shift_right_logical3A_408 : vector<16xi32>
      %and3A_410 = arith.constant 127 : i32
      %and3A_411 = vector.broadcast %and3A_410 : i32 to vector<16xi32>
      %and3A_412 = arith.andi %get3A_406, %and3A_411 : vector<16xi32>
      tpu.vector_store_idx %arg16[%shift_right_logical3A_409, %and3A_412], %broadcast_in_dim3A_43 {add = true} : memref<80x128xf32, #tpu.memory_space<vmem>>[vector<16xi32>, vector<16xi32>], vector<16xf32>,
      %get3A_413 = arith.constant 32 : index
      %get3A_414 = tpu.vector_load %arg13[%get3A_413] {strides = array<i32>} : memref<128xi32, #tpu.memory_space<vmem>>, vector<16xi32>,
      %shift_right_logical3A_415 = arith.constant 7 : i32
      %shift_right_logical3A_416 = vector.broadcast %shift_right_logical3A_415 : i32 to vector<16xi32>
      %shift_right_logical3A_417 = arith.shrui %get3A_414, %shift_right_logical3A_416 : vector<16xi32>
      %and3A_418 = arith.constant 127 : i32
      %and3A_419 = vector.broadcast %and3A_418 : i32 to vector<16xi32>
      %and3A_420 = arith.andi %get3A_414, %and3A_419 : vector<16xi32>
      tpu.vector_store_idx %arg16[%shift_right_logical3A_417, %and3A_420], %broadcast_in_dim3A_43 {add = true} : memref<80x128xf32, #tpu.memory_space<vmem>>[vector<16xi32>, vector<16xi32>], vector<16xf32>,
      %get3A_421 = arith.constant 48 : index
      %get3A_422 = tpu.vector_load %arg13[%get3A_421] {strides = array<i32>} : memref<128xi32, #tpu.memory_space<vmem>>, vector<16xi32>,
      %shift_right_logical3A_423 = arith.constant 7 : i32
      %shift_right_logical3A_424 = vector.broadcast %shift_right_logical3A_423 : i32 to vector<16xi32>
      %shift_right_logical3A_425 = arith.shrui %get3A_422, %shift_right_logical3A_424 : vector<16xi32>
      %and3A_426 = arith.constant 127 : i32
      %and3A_427 = vector.broadcast %and3A_426 : i32 to vector<16xi32>
      %and3A_428 = arith.andi %get3A_422, %and3A_427 : vector<16xi32>
      tpu.vector_store_idx %arg16[%shift_right_logical3A_425, %and3A_428], %broadcast_in_dim3A_43 {add = true} : memref<80x128xf32, #tpu.memory_space<vmem>>[vector<16xi32>, vector<16xi32>], vector<16xf32>,
      %get3A_429 = arith.constant 64 : index
      %get3A_430 = tpu.vector_load %arg13[%get3A_429] {strides = array<i32>} : memref<128xi32, #tpu.memory_space<vmem>>, vector<16xi32>,
      %shift_right_logical3A_431 = arith.constant 7 : i32
      %shift_right_logical3A_432 = vector.broadcast %shift_right_logical3A_431 : i32 to vector<16xi32>
      %shift_right_logical3A_433 = arith.shrui %get3A_430, %shift_right_logical3A_432 : vector<16xi32>
      %and3A_434 = arith.constant 127 : i32
      %and3A_435 = vector.broadcast %and3A_434 : i32 to vector<16xi32>
      %and3A_436 = arith.andi %get3A_430, %and3A_435 : vector<16xi32>
      tpu.vector_store_idx %arg16[%shift_right_logical3A_433, %and3A_436], %broadcast_in_dim3A_43 {add = true} : memref<80x128xf32, #tpu.memory_space<vmem>>[vector<16xi32>, vector<16xi32>], vector<16xf32>,
      %get3A_437 = arith.constant 80 : index
      %get3A_438 = tpu.vector_load %arg13[%get3A_437] {strides = array<i32>} : memref<128xi32, #tpu.memory_space<vmem>>, vector<16xi32>,
      %shift_right_logical3A_439 = arith.constant 7 : i32
      %shift_right_logical3A_440 = vector.broadcast %shift_right_logical3A_439 : i32 to vector<16xi32>
      %shift_right_logical3A_441 = arith.shrui %get3A_438, %shift_right_logical3A_440 : vector<16xi32>
      %and3A_442 = arith.constant 127 : i32
      %and3A_443 = vector.broadcast %and3A_442 : i32 to vector<16xi32>
      %and3A_444 = arith.andi %get3A_438, %and3A_443 : vector<16xi32>
      tpu.vector_store_idx %arg16[%shift_right_logical3A_441, %and3A_444], %broadcast_in_dim3A_43 {add = true} : memref<80x128xf32, #tpu.memory_space<vmem>>[vector<16xi32>, vector<16xi32>], vector<16xf32>,
      %get3A_445 = arith.constant 96 : index
      %get3A_446 = tpu.vector_load %arg13[%get3A_445] {strides = array<i32>} : memref<128xi32, #tpu.memory_space<vmem>>, vector<16xi32>,
      %shift_right_logical3A_447 = arith.constant 7 : i32
      %shift_right_logical3A_448 = vector.broadcast %shift_right_logical3A_447 : i32 to vector<16xi32>
      %shift_right_logical3A_449 = arith.shrui %get3A_446, %shift_right_logical3A_448 : vector<16xi32>
      %and3A_450 = arith.constant 127 : i32
      %and3A_451 = vector.broadcast %and3A_450 : i32 to vector<16xi32>
      %and3A_452 = arith.andi %get3A_446, %and3A_451 : vector<16xi32>
      tpu.vector_store_idx %arg16[%shift_right_logical3A_449, %and3A_452], %broadcast_in_dim3A_43 {add = true} : memref<80x128xf32, #tpu.memory_space<vmem>>[vector<16xi32>, vector<16xi32>], vector<16xf32>,
      %get3A_453 = arith.constant 112 : index
      %get3A_454 = tpu.vector_load %arg13[%get3A_453] {strides = array<i32>} : memref<128xi32, #tpu.memory_space<vmem>>, vector<16xi32>,
      %shift_right_logical3A_455 = arith.constant 7 : i32
      %shift_right_logical3A_456 = vector.broadcast %shift_right_logical3A_455 : i32 to vector<16xi32>
      %shift_right_logical3A_457 = arith.shrui %get3A_454, %shift_right_logical3A_456 : vector<16xi32>
      %and3A_458 = arith.constant 127 : i32
      %and3A_459 = vector.broadcast %and3A_458 : i32 to vector<16xi32>
      %and3A_460 = arith.andi %get3A_454, %and3A_459 : vector<16xi32>
      tpu.vector_store_idx %arg16[%shift_right_logical3A_457, %and3A_460], %broadcast_in_dim3A_43 {add = true} : memref<80x128xf32, #tpu.memory_space<vmem>>[vector<16xi32>, vector<16xi32>], vector<16xf32>,
    }
    %scan3A_58 = arith.constant 20 : i32
    %dma_wait3A = arith.constant 0 : i32
    %dma_wait3A_59 = arith.constant 0 : i32
    %dma_wait3A_60 = tpu.memref_slice %arg18[%dma_wait3A, %dma_wait3A_59] : memref<10112x128xf32, #tpu.memory_space<vmem_shared>> -> memref<10112x128xf32, #tpu.memory_space<vmem_shared>>
    tpu.wait_indirect_dma semaphore(%arg23 : memref<!tpu.dma_semaphore, #tpu.memory_space<semaphore_mem>>) src(%arg15 : memref<128x128xf32, #tpu.memory_space<vmem>>) dst(%dma_wait3A_60 : memref<10112x128xf32, #tpu.memory_space<vmem_shared>>)
    "tpu.region"() ({
      %run_scoped3A = tpu.sem_alloc : memref<!tpu.dma_semaphore, #tpu.memory_space<semaphore_mem>>
      %dma_start3A_90 = arith.constant 0 : i32
      %dma_start3A_91 = arith.constant 0 : i32
      %dma_start3A_92 = tpu.memref_slice %arg19[%dma_start3A_90, %dma_start3A_91] : memref<80x128xf32, #tpu.memory_space<vmem_shared>> -> memref<80x128xf32, #tpu.memory_space<vmem_shared>>
      tpu.enqueue_indirect_dma source(%arg16 : memref<80x128xf32, #tpu.memory_space<vmem>>) target(%dma_start3A_92 : memref<80x128xf32, #tpu.memory_space<vmem_shared>>) offsets(%arg17 : memref<80xi32, #tpu.memory_space<vmem>>) semaphore(%run_scoped3A : memref<!tpu.dma_semaphore, #tpu.memory_space<semaphore_mem>>) {add = true}
      %dma_wait3A_93 = arith.constant 0 : i32
      %dma_wait3A_94 = arith.constant 0 : i32
      %dma_wait3A_95 = tpu.memref_slice %arg19[%dma_wait3A_93, %dma_wait3A_94] : memref<80x128xf32, #tpu.memory_space<vmem_shared>> -> memref<80x128xf32, #tpu.memory_space<vmem_shared>>
      tpu.wait_indirect_dma semaphore(%run_scoped3A : memref<!tpu.dma_semaphore, #tpu.memory_space<semaphore_mem>>) src(%arg16 : memref<80x128xf32, #tpu.memory_space<vmem>>) dst(%dma_wait3A_95 : memref<80x128xf32, #tpu.memory_space<vmem_shared>>)
      tpu.yield
    }) : () -> ()
    %barrier3A_61 = arith.constant 0 : index
    tpu.barrier barrier_id(%barrier3A_61)
    %mul3A_62 = arith.constant 10112 : i32
    %mul3A_63 = arith.muli %arg0, %mul3A_62 : i32
    %add3A_64 = arith.addi %mul3A_63, %mul3A_0 : i32
    %add3A_65 = arith.constant 0 : i32
    %add3A_66 = arith.addi %mul3A_0, %add3A_65 : i32
    "tpu.region"() ({
      %run_scoped3A = tpu.sem_alloc : memref<!tpu.dma_semaphore, #tpu.memory_space<semaphore_mem>>
      %dma_start3A_90 = arith.constant 0 : i32
      %dma_start3A_91 = tpu.memref_slice %arg18[%add3A_66, %dma_start3A_90] : memref<10112x128xf32, #tpu.memory_space<vmem_shared>> -> memref<128x128xf32, #tpu.memory_space<vmem_shared>>
      %dma_start3A_92 = arith.constant 0 : i32
      %dma_start3A_93 = tpu.memref_slice %arg18[%add3A_66, %dma_start3A_92] : memref<10112x128xf32, #tpu.memory_space<vmem_shared>> -> memref<128x128xf32, #tpu.memory_space<vmem_shared>>
      tpu.enqueue_dma source(%dma_start3A_93 : memref<128x128xf32, #tpu.memory_space<vmem_shared>>) target(%arg14 : memref<128x128xf32, #tpu.memory_space<vmem>>) target_semaphore(%run_scoped3A : memref<!tpu.dma_semaphore, #tpu.memory_space<semaphore_mem>>)
      %dma_wait3A_94 = arith.constant 0 : i32
      %dma_wait3A_95 = tpu.memref_slice %arg18[%add3A_66, %dma_wait3A_94] : memref<10112x128xf32, #tpu.memory_space<vmem_shared>> -> memref<128x128xf32, #tpu.memory_space<vmem_shared>>
      %dma_wait3A_96 = arith.constant 0 : i32
      %dma_wait3A_97 = tpu.memref_slice %arg18[%add3A_66, %dma_wait3A_96] : memref<10112x128xf32, #tpu.memory_space<vmem_shared>> -> memref<128x128xf32, #tpu.memory_space<vmem_shared>>
      tpu.wait_dma2 semaphore(%run_scoped3A : memref<!tpu.dma_semaphore, #tpu.memory_space<semaphore_mem>>) src(%dma_wait3A_97 : memref<128x128xf32, #tpu.memory_space<vmem_shared>>) dst(%arg14 : memref<128x128xf32, #tpu.memory_space<vmem>>)
      tpu.yield
    }) : () -> ()
    %add3A_67 = arith.constant 0 : i32
    %add3A_68 = arith.addi %add3A_64, %add3A_67 : i32
    "tpu.region"() ({
      %run_scoped3A = tpu.sem_alloc : memref<!tpu.dma_semaphore, #tpu.memory_space<semaphore_mem>>
      %dma_start3A_90 = arith.constant 0 : i32
      %dma_start3A_91 = tpu.memref_slice %arg6[%add3A_68, %dma_start3A_90] : memref<20224x128xf32, #tpu.memory_space<hbm>> -> memref<128x128xf32, #tpu.memory_space<hbm>>
      %dma_start3A_92 = arith.constant 0 : i32
      %dma_start3A_93 = tpu.memref_slice %arg6[%add3A_68, %dma_start3A_92] : memref<20224x128xf32, #tpu.memory_space<hbm>> -> memref<128x128xf32, #tpu.memory_space<hbm>>
      tpu.enqueue_dma source(%arg14 : memref<128x128xf32, #tpu.memory_space<vmem>>) target(%dma_start3A_93 : memref<128x128xf32, #tpu.memory_space<hbm>>) target_semaphore(%run_scoped3A : memref<!tpu.dma_semaphore, #tpu.memory_space<semaphore_mem>>)
      %dma_wait3A_94 = arith.constant 0 : i32
      %dma_wait3A_95 = tpu.memref_slice %arg6[%add3A_68, %dma_wait3A_94] : memref<20224x128xf32, #tpu.memory_space<hbm>> -> memref<128x128xf32, #tpu.memory_space<hbm>>
      %dma_wait3A_96 = arith.constant 0 : i32
      %dma_wait3A_97 = tpu.memref_slice %arg6[%add3A_68, %dma_wait3A_96] : memref<20224x128xf32, #tpu.memory_space<hbm>> -> memref<128x128xf32, #tpu.memory_space<hbm>>
      tpu.wait_dma2 semaphore(%run_scoped3A : memref<!tpu.dma_semaphore, #tpu.memory_space<semaphore_mem>>) src(%arg14 : memref<128x128xf32, #tpu.memory_space<vmem>>) dst(%dma_wait3A_97 : memref<128x128xf32, #tpu.memory_space<hbm>>)
      tpu.yield
    }) : () -> ()
    %add3A_69 = arith.constant 128 : i32
    %add3A_70 = arith.addi %mul3A_0, %add3A_69 : i32
    "tpu.region"() ({
      %run_scoped3A = tpu.sem_alloc : memref<!tpu.dma_semaphore, #tpu.memory_space<semaphore_mem>>
      %dma_start3A_90 = arith.constant 0 : i32
      %dma_start3A_91 = tpu.memref_slice %arg18[%add3A_70, %dma_start3A_90] : memref<10112x128xf32, #tpu.memory_space<vmem_shared>> -> memref<128x128xf32, #tpu.memory_space<vmem_shared>>
      %dma_start3A_92 = arith.constant 0 : i32
      %dma_start3A_93 = tpu.memref_slice %arg18[%add3A_70, %dma_start3A_92] : memref<10112x128xf32, #tpu.memory_space<vmem_shared>> -> memref<128x128xf32, #tpu.memory_space<vmem_shared>>
      tpu.enqueue_dma source(%dma_start3A_93 : memref<128x128xf32, #tpu.memory_space<vmem_shared>>) target(%arg14 : memref<128x128xf32, #tpu.memory_space<vmem>>) target_semaphore(%run_scoped3A : memref<!tpu.dma_semaphore, #tpu.memory_space<semaphore_mem>>)
      %dma_wait3A_94 = arith.constant 0 : i32
      %dma_wait3A_95 = tpu.memref_slice %arg18[%add3A_70, %dma_wait3A_94] : memref<10112x128xf32, #tpu.memory_space<vmem_shared>> -> memref<128x128xf32, #tpu.memory_space<vmem_shared>>
      %dma_wait3A_96 = arith.constant 0 : i32
      %dma_wait3A_97 = tpu.memref_slice %arg18[%add3A_70, %dma_wait3A_96] : memref<10112x128xf32, #tpu.memory_space<vmem_shared>> -> memref<128x128xf32, #tpu.memory_space<vmem_shared>>
      tpu.wait_dma2 semaphore(%run_scoped3A : memref<!tpu.dma_semaphore, #tpu.memory_space<semaphore_mem>>) src(%dma_wait3A_97 : memref<128x128xf32, #tpu.memory_space<vmem_shared>>) dst(%arg14 : memref<128x128xf32, #tpu.memory_space<vmem>>)
      tpu.yield
    }) : () -> ()
    %add3A_71 = arith.constant 128 : i32
    %add3A_72 = arith.addi %add3A_64, %add3A_71 : i32
    "tpu.region"() ({
      %run_scoped3A = tpu.sem_alloc : memref<!tpu.dma_semaphore, #tpu.memory_space<semaphore_mem>>
      %dma_start3A_90 = arith.constant 0 : i32
      %dma_start3A_91 = tpu.memref_slice %arg6[%add3A_72, %dma_start3A_90] : memref<20224x128xf32, #tpu.memory_space<hbm>> -> memref<128x128xf32, #tpu.memory_space<hbm>>
      %dma_start3A_92 = arith.constant 0 : i32
      %dma_start3A_93 = tpu.memref_slice %arg6[%add3A_72, %dma_start3A_92] : memref<20224x128xf32, #tpu.memory_space<hbm>> -> memref<128x128xf32, #tpu.memory_space<hbm>>
      tpu.enqueue_dma source(%arg14 : memref<128x128xf32, #tpu.memory_space<vmem>>) target(%dma_start3A_93 : memref<128x128xf32, #tpu.memory_space<hbm>>) target_semaphore(%run_scoped3A : memref<!tpu.dma_semaphore, #tpu.memory_space<semaphore_mem>>)
      %dma_wait3A_94 = arith.constant 0 : i32
      %dma_wait3A_95 = tpu.memref_slice %arg6[%add3A_72, %dma_wait3A_94] : memref<20224x128xf32, #tpu.memory_space<hbm>> -> memref<128x128xf32, #tpu.memory_space<hbm>>
      %dma_wait3A_96 = arith.constant 0 : i32
      %dma_wait3A_97 = tpu.memref_slice %arg6[%add3A_72, %dma_wait3A_96] : memref<20224x128xf32, #tpu.memory_space<hbm>> -> memref<128x128xf32, #tpu.memory_space<hbm>>
      tpu.wait_dma2 semaphore(%run_scoped3A : memref<!tpu.dma_semaphore, #tpu.memory_space<semaphore_mem>>) src(%arg14 : memref<128x128xf32, #tpu.memory_space<vmem>>) dst(%dma_wait3A_97 : memref<128x128xf32, #tpu.memory_space<hbm>>)
      tpu.yield
    }) : () -> ()
    %add3A_73 = arith.constant 256 : i32
    %add3A_74 = arith.addi %mul3A_0, %add3A_73 : i32
    "tpu.region"() ({
      %run_scoped3A = tpu.sem_alloc : memref<!tpu.dma_semaphore, #tpu.memory_space<semaphore_mem>>
      %dma_start3A_90 = arith.constant 0 : i32
      %dma_start3A_91 = tpu.memref_slice %arg18[%add3A_74, %dma_start3A_90] : memref<10112x128xf32, #tpu.memory_space<vmem_shared>> -> memref<128x128xf32, #tpu.memory_space<vmem_shared>>
      %dma_start3A_92 = arith.constant 0 : i32
      %dma_start3A_93 = tpu.memref_slice %arg18[%add3A_74, %dma_start3A_92] : memref<10112x128xf32, #tpu.memory_space<vmem_shared>> -> memref<128x128xf32, #tpu.memory_space<vmem_shared>>
      tpu.enqueue_dma source(%dma_start3A_93 : memref<128x128xf32, #tpu.memory_space<vmem_shared>>) target(%arg14 : memref<128x128xf32, #tpu.memory_space<vmem>>) target_semaphore(%run_scoped3A : memref<!tpu.dma_semaphore, #tpu.memory_space<semaphore_mem>>)
      %dma_wait3A_94 = arith.constant 0 : i32
      %dma_wait3A_95 = tpu.memref_slice %arg18[%add3A_74, %dma_wait3A_94] : memref<10112x128xf32, #tpu.memory_space<vmem_shared>> -> memref<128x128xf32, #tpu.memory_space<vmem_shared>>
      %dma_wait3A_96 = arith.constant 0 : i32
      %dma_wait3A_97 = tpu.memref_slice %arg18[%add3A_74, %dma_wait3A_96] : memref<10112x128xf32, #tpu.memory_space<vmem_shared>> -> memref<128x128xf32, #tpu.memory_space<vmem_shared>>
      tpu.wait_dma2 semaphore(%run_scoped3A : memref<!tpu.dma_semaphore, #tpu.memory_space<semaphore_mem>>) src(%dma_wait3A_97 : memref<128x128xf32, #tpu.memory_space<vmem_shared>>) dst(%arg14 : memref<128x128xf32, #tpu.memory_space<vmem>>)
      tpu.yield
    }) : () -> ()
    %add3A_75 = arith.constant 256 : i32
    %add3A_76 = arith.addi %add3A_64, %add3A_75 : i32
    "tpu.region"() ({
      %run_scoped3A = tpu.sem_alloc : memref<!tpu.dma_semaphore, #tpu.memory_space<semaphore_mem>>
      %dma_start3A_90 = arith.constant 0 : i32
      %dma_start3A_91 = tpu.memref_slice %arg6[%add3A_76, %dma_start3A_90] : memref<20224x128xf32, #tpu.memory_space<hbm>> -> memref<128x128xf32, #tpu.memory_space<hbm>>
      %dma_start3A_92 = arith.constant 0 : i32
      %dma_start3A_93 = tpu.memref_slice %arg6[%add3A_76, %dma_start3A_92] : memref<20224x128xf32, #tpu.memory_space<hbm>> -> memref<128x128xf32, #tpu.memory_space<hbm>>
      tpu.enqueue_dma source(%arg14 : memref<128x128xf32, #tpu.memory_space<vmem>>) target(%dma_start3A_93 : memref<128x128xf32, #tpu.memory_space<hbm>>) target_semaphore(%run_scoped3A : memref<!tpu.dma_semaphore, #tpu.memory_space<semaphore_mem>>)
      %dma_wait3A_94 = arith.constant 0 : i32
      %dma_wait3A_95 = tpu.memref_slice %arg6[%add3A_76, %dma_wait3A_94] : memref<20224x128xf32, #tpu.memory_space<hbm>> -> memref<128x128xf32, #tpu.memory_space<hbm>>
      %dma_wait3A_96 = arith.constant 0 : i32
      %dma_wait3A_97 = tpu.memref_slice %arg6[%add3A_76, %dma_wait3A_96] : memref<20224x128xf32, #tpu.memory_space<hbm>> -> memref<128x128xf32, #tpu.memory_space<hbm>>
      tpu.wait_dma2 semaphore(%run_scoped3A : memref<!tpu.dma_semaphore, #tpu.memory_space<semaphore_mem>>) src(%arg14 : memref<128x128xf32, #tpu.memory_space<vmem>>) dst(%dma_wait3A_97 : memref<128x128xf32, #tpu.memory_space<hbm>>)
      tpu.yield
    }) : () -> ()
    %add3A_77 = arith.constant 384 : i32
    %add3A_78 = arith.addi %mul3A_0, %add3A_77 : i32
    "tpu.region"() ({
      %run_scoped3A = tpu.sem_alloc : memref<!tpu.dma_semaphore, #tpu.memory_space<semaphore_mem>>
      %dma_start3A_90 = arith.constant 0 : i32
      %dma_start3A_91 = tpu.memref_slice %arg18[%add3A_78, %dma_start3A_90] : memref<10112x128xf32, #tpu.memory_space<vmem_shared>> -> memref<128x128xf32, #tpu.memory_space<vmem_shared>>
      %dma_start3A_92 = arith.constant 0 : i32
      %dma_start3A_93 = tpu.memref_slice %arg18[%add3A_78, %dma_start3A_92] : memref<10112x128xf32, #tpu.memory_space<vmem_shared>> -> memref<128x128xf32, #tpu.memory_space<vmem_shared>>
      tpu.enqueue_dma source(%dma_start3A_93 : memref<128x128xf32, #tpu.memory_space<vmem_shared>>) target(%arg14 : memref<128x128xf32, #tpu.memory_space<vmem>>) target_semaphore(%run_scoped3A : memref<!tpu.dma_semaphore, #tpu.memory_space<semaphore_mem>>)
      %dma_wait3A_94 = arith.constant 0 : i32
      %dma_wait3A_95 = tpu.memref_slice %arg18[%add3A_78, %dma_wait3A_94] : memref<10112x128xf32, #tpu.memory_space<vmem_shared>> -> memref<128x128xf32, #tpu.memory_space<vmem_shared>>
      %dma_wait3A_96 = arith.constant 0 : i32
      %dma_wait3A_97 = tpu.memref_slice %arg18[%add3A_78, %dma_wait3A_96] : memref<10112x128xf32, #tpu.memory_space<vmem_shared>> -> memref<128x128xf32, #tpu.memory_space<vmem_shared>>
      tpu.wait_dma2 semaphore(%run_scoped3A : memref<!tpu.dma_semaphore, #tpu.memory_space<semaphore_mem>>) src(%dma_wait3A_97 : memref<128x128xf32, #tpu.memory_space<vmem_shared>>) dst(%arg14 : memref<128x128xf32, #tpu.memory_space<vmem>>)
      tpu.yield
    }) : () -> ()
    %add3A_79 = arith.constant 384 : i32
    %add3A_80 = arith.addi %add3A_64, %add3A_79 : i32
    "tpu.region"() ({
      %run_scoped3A = tpu.sem_alloc : memref<!tpu.dma_semaphore, #tpu.memory_space<semaphore_mem>>
      %dma_start3A_90 = arith.constant 0 : i32
      %dma_start3A_91 = tpu.memref_slice %arg6[%add3A_80, %dma_start3A_90] : memref<20224x128xf32, #tpu.memory_space<hbm>> -> memref<128x128xf32, #tpu.memory_space<hbm>>
      %dma_start3A_92 = arith.constant 0 : i32
      %dma_start3A_93 = tpu.memref_slice %arg6[%add3A_80, %dma_start3A_92] : memref<20224x128xf32, #tpu.memory_space<hbm>> -> memref<128x128xf32, #tpu.memory_space<hbm>>
      tpu.enqueue_dma source(%arg14 : memref<128x128xf32, #tpu.memory_space<vmem>>) target(%dma_start3A_93 : memref<128x128xf32, #tpu.memory_space<hbm>>) target_semaphore(%run_scoped3A : memref<!tpu.dma_semaphore, #tpu.memory_space<semaphore_mem>>)
      %dma_wait3A_94 = arith.constant 0 : i32
      %dma_wait3A_95 = tpu.memref_slice %arg6[%add3A_80, %dma_wait3A_94] : memref<20224x128xf32, #tpu.memory_space<hbm>> -> memref<128x128xf32, #tpu.memory_space<hbm>>
      %dma_wait3A_96 = arith.constant 0 : i32
      %dma_wait3A_97 = tpu.memref_slice %arg6[%add3A_80, %dma_wait3A_96] : memref<20224x128xf32, #tpu.memory_space<hbm>> -> memref<128x128xf32, #tpu.memory_space<hbm>>
      tpu.wait_dma2 semaphore(%run_scoped3A : memref<!tpu.dma_semaphore, #tpu.memory_space<semaphore_mem>>) src(%arg14 : memref<128x128xf32, #tpu.memory_space<vmem>>) dst(%dma_wait3A_97 : memref<128x128xf32, #tpu.memory_space<hbm>>)
      tpu.yield
    }) : () -> ()
    %add3A_81 = arith.constant 512 : i32
    %add3A_82 = arith.addi %mul3A_0, %add3A_81 : i32
    "tpu.region"() ({
      %run_scoped3A = tpu.sem_alloc : memref<!tpu.dma_semaphore, #tpu.memory_space<semaphore_mem>>
      %dma_start3A_90 = arith.constant 0 : i32
      %dma_start3A_91 = arith.constant 0 : i32
      %dma_start3A_92 = tpu.memref_slice %arg14[%dma_start3A_90, %dma_start3A_91] : memref<128x128xf32, #tpu.memory_space<vmem>> -> memref<120x128xf32, #tpu.memory_space<vmem>>
      %dma_start3A_93 = arith.constant 0 : i32
      %dma_start3A_94 = tpu.memref_slice %arg18[%add3A_82, %dma_start3A_93] : memref<10112x128xf32, #tpu.memory_space<vmem_shared>> -> memref<120x128xf32, #tpu.memory_space<vmem_shared>>
      %dma_start3A_95 = arith.constant 0 : i32
      %dma_start3A_96 = arith.constant 0 : i32
      %dma_start3A_97 = tpu.memref_slice %arg14[%dma_start3A_95, %dma_start3A_96] : memref<128x128xf32, #tpu.memory_space<vmem>> -> memref<120x128xf32, #tpu.memory_space<vmem>>
      %dma_start3A_98 = arith.constant 0 : i32
      %dma_start3A_99 = tpu.memref_slice %arg18[%add3A_82, %dma_start3A_98] : memref<10112x128xf32, #tpu.memory_space<vmem_shared>> -> memref<120x128xf32, #tpu.memory_space<vmem_shared>>
      tpu.enqueue_dma source(%dma_start3A_99 : memref<120x128xf32, #tpu.memory_space<vmem_shared>>) target(%dma_start3A_97 : memref<120x128xf32, #tpu.memory_space<vmem>>) target_semaphore(%run_scoped3A : memref<!tpu.dma_semaphore, #tpu.memory_space<semaphore_mem>>)
      %dma_wait3A_100 = arith.constant 0 : i32
      %dma_wait3A_101 = arith.constant 0 : i32
      %dma_wait3A_102 = tpu.memref_slice %arg14[%dma_wait3A_100, %dma_wait3A_101] : memref<128x128xf32, #tpu.memory_space<vmem>> -> memref<120x128xf32, #tpu.memory_space<vmem>>
      %dma_wait3A_103 = arith.constant 0 : i32
      %dma_wait3A_104 = tpu.memref_slice %arg18[%add3A_82, %dma_wait3A_103] : memref<10112x128xf32, #tpu.memory_space<vmem_shared>> -> memref<120x128xf32, #tpu.memory_space<vmem_shared>>
      %dma_wait3A_105 = arith.constant 0 : i32
      %dma_wait3A_106 = arith.constant 0 : i32
      %dma_wait3A_107 = tpu.memref_slice %arg14[%dma_wait3A_105, %dma_wait3A_106] : memref<128x128xf32, #tpu.memory_space<vmem>> -> memref<120x128xf32, #tpu.memory_space<vmem>>
      %dma_wait3A_108 = arith.constant 0 : i32
      %dma_wait3A_109 = tpu.memref_slice %arg18[%add3A_82, %dma_wait3A_108] : memref<10112x128xf32, #tpu.memory_space<vmem_shared>> -> memref<120x128xf32, #tpu.memory_space<vmem_shared>>
      tpu.wait_dma2 semaphore(%run_scoped3A : memref<!tpu.dma_semaphore, #tpu.memory_space<semaphore_mem>>) src(%dma_wait3A_109 : memref<120x128xf32, #tpu.memory_space<vmem_shared>>) dst(%dma_wait3A_107 : memref<120x128xf32, #tpu.memory_space<vmem>>)
      tpu.yield
    }) : () -> ()
    %add3A_83 = arith.constant 512 : i32
    %add3A_84 = arith.addi %add3A_64, %add3A_83 : i32
    "tpu.region"() ({
      %run_scoped3A = tpu.sem_alloc : memref<!tpu.dma_semaphore, #tpu.memory_space<semaphore_mem>>
      %dma_start3A_90 = arith.constant 0 : i32
      %dma_start3A_91 = arith.constant 0 : i32
      %dma_start3A_92 = tpu.memref_slice %arg14[%dma_start3A_90, %dma_start3A_91] : memref<128x128xf32, #tpu.memory_space<vmem>> -> memref<120x128xf32, #tpu.memory_space<vmem>>
      %dma_start3A_93 = arith.constant 0 : i32
      %dma_start3A_94 = tpu.memref_slice %arg6[%add3A_84, %dma_start3A_93] : memref<20224x128xf32, #tpu.memory_space<hbm>> -> memref<120x128xf32, #tpu.memory_space<hbm>>
      %dma_start3A_95 = arith.constant 0 : i32
      %dma_start3A_96 = tpu.memref_slice %arg6[%add3A_84, %dma_start3A_95] : memref<20224x128xf32, #tpu.memory_space<hbm>> -> memref<120x128xf32, #tpu.memory_space<hbm>>
      %dma_start3A_97 = arith.constant 0 : i32
      %dma_start3A_98 = arith.constant 0 : i32
      %dma_start3A_99 = tpu.memref_slice %arg14[%dma_start3A_97, %dma_start3A_98] : memref<128x128xf32, #tpu.memory_space<vmem>> -> memref<120x128xf32, #tpu.memory_space<vmem>>
      tpu.enqueue_dma source(%dma_start3A_99 : memref<120x128xf32, #tpu.memory_space<vmem>>) target(%dma_start3A_96 : memref<120x128xf32, #tpu.memory_space<hbm>>) target_semaphore(%run_scoped3A : memref<!tpu.dma_semaphore, #tpu.memory_space<semaphore_mem>>)
      %dma_wait3A_100 = arith.constant 0 : i32
      %dma_wait3A_101 = arith.constant 0 : i32
      %dma_wait3A_102 = tpu.memref_slice %arg14[%dma_wait3A_100, %dma_wait3A_101] : memref<128x128xf32, #tpu.memory_space<vmem>> -> memref<120x128xf32, #tpu.memory_space<vmem>>
      %dma_wait3A_103 = arith.constant 0 : i32
      %dma_wait3A_104 = tpu.memref_slice %arg6[%add3A_84, %dma_wait3A_103] : memref<20224x128xf32, #tpu.memory_space<hbm>> -> memref<120x128xf32, #tpu.memory_space<hbm>>
      %dma_wait3A_105 = arith.constant 0 : i32
      %dma_wait3A_106 = tpu.memref_slice %arg6[%add3A_84, %dma_wait3A_105] : memref<20224x128xf32, #tpu.memory_space<hbm>> -> memref<120x128xf32, #tpu.memory_space<hbm>>
      %dma_wait3A_107 = arith.constant 0 : i32
      %dma_wait3A_108 = arith.constant 0 : i32
      %dma_wait3A_109 = tpu.memref_slice %arg14[%dma_wait3A_107, %dma_wait3A_108] : memref<128x128xf32, #tpu.memory_space<vmem>> -> memref<120x128xf32, #tpu.memory_space<vmem>>
      tpu.wait_dma2 semaphore(%run_scoped3A : memref<!tpu.dma_semaphore, #tpu.memory_space<semaphore_mem>>) src(%dma_wait3A_109 : memref<120x128xf32, #tpu.memory_space<vmem>>) dst(%dma_wait3A_106 : memref<120x128xf32, #tpu.memory_space<hbm>>)
      tpu.yield
    }) : () -> ()
    %eq3A_85 = arith.constant 0 : i32
    %eq3A_86 = arith.cmpi eq, %arg1, %eq3A_85 : i32
    %convert_element_type3A_87 = arith.extui %eq3A_86 : i1 to i32
    %cond3A_88 = arith.constant 0 : i32
    %cond3A_89 = arith.cmpi ne, %convert_element_type3A_87, %cond3A_88 : i32
    scf.if %cond3A_89 {
      "tpu.region"() ({
        %run_scoped3A = tpu.sem_alloc : memref<!tpu.dma_semaphore, #tpu.memory_space<semaphore_mem>>
        %dma_start3A_90 = arith.constant 0 : i32
        %dma_start3A_91 = arith.constant 0 : i32
        %dma_start3A_92 = tpu.memref_slice %arg14[%dma_start3A_90, %dma_start3A_91] : memref<128x128xf32, #tpu.memory_space<vmem>> -> memref<80x128xf32, #tpu.memory_space<vmem>>
        %dma_start3A_93 = arith.constant 0 : i32
        %dma_start3A_94 = arith.constant 0 : i32
        %dma_start3A_95 = tpu.memref_slice %arg14[%dma_start3A_93, %dma_start3A_94] : memref<128x128xf32, #tpu.memory_space<vmem>> -> memref<80x128xf32, #tpu.memory_space<vmem>>
        tpu.enqueue_dma source(%arg19 : memref<80x128xf32, #tpu.memory_space<vmem_shared>>) target(%dma_start3A_95 : memref<80x128xf32, #tpu.memory_space<vmem>>) target_semaphore(%run_scoped3A : memref<!tpu.dma_semaphore, #tpu.memory_space<semaphore_mem>>)
        %dma_wait3A_96 = arith.constant 0 : i32
        %dma_wait3A_97 = arith.constant 0 : i32
        %dma_wait3A_98 = tpu.memref_slice %arg14[%dma_wait3A_96, %dma_wait3A_97] : memref<128x128xf32, #tpu.memory_space<vmem>> -> memref<80x128xf32, #tpu.memory_space<vmem>>
        %dma_wait3A_99 = arith.constant 0 : i32
        %dma_wait3A_100 = arith.constant 0 : i32
        %dma_wait3A_101 = tpu.memref_slice %arg14[%dma_wait3A_99, %dma_wait3A_100] : memref<128x128xf32, #tpu.memory_space<vmem>> -> memref<80x128xf32, #tpu.memory_space<vmem>>
        tpu.wait_dma2 semaphore(%run_scoped3A : memref<!tpu.dma_semaphore, #tpu.memory_space<semaphore_mem>>) src(%arg19 : memref<80x128xf32, #tpu.memory_space<vmem_shared>>) dst(%dma_wait3A_101 : memref<80x128xf32, #tpu.memory_space<vmem>>)
        tpu.yield
      }) : () -> ()
      "tpu.region"() ({
        %run_scoped3A = tpu.sem_alloc : memref<!tpu.dma_semaphore, #tpu.memory_space<semaphore_mem>>
        %dma_start3A_90 = arith.constant 0 : i32
        %dma_start3A_91 = arith.constant 0 : i32
        %dma_start3A_92 = tpu.memref_slice %arg14[%dma_start3A_90, %dma_start3A_91] : memref<128x128xf32, #tpu.memory_space<vmem>> -> memref<80x128xf32, #tpu.memory_space<vmem>>
        %dma_start3A_93 = arith.constant 0 : i32
        %dma_start3A_94 = arith.constant 0 : i32
        %dma_start3A_95 = tpu.memref_slice %arg7[%arg0, %dma_start3A_93, %dma_start3A_94] : memref<2x80x128xf32, #tpu.memory_space<hbm>> -> memref<1x80x128xf32, #tpu.memory_space<hbm>>
        %dma_start3A_96 = tpu.memref_squeeze %dma_start3A_95 : memref<1x80x128xf32, #tpu.memory_space<hbm>> -> memref<80x128xf32, #tpu.memory_space<hbm>>
        %dma_start3A_97 = arith.constant 0 : i32
        %dma_start3A_98 = arith.constant 0 : i32
        %dma_start3A_99 = tpu.memref_slice %arg7[%arg0, %dma_start3A_97, %dma_start3A_98] : memref<2x80x128xf32, #tpu.memory_space<hbm>> -> memref<1x80x128xf32, #tpu.memory_space<hbm>>
        %dma_start3A_100 = tpu.memref_squeeze %dma_start3A_99 : memref<1x80x128xf32, #tpu.memory_space<hbm>> -> memref<80x128xf32, #tpu.memory_space<hbm>>
        %dma_start3A_101 = arith.constant 0 : i32
        %dma_start3A_102 = arith.constant 0 : i32
        %dma_start3A_103 = tpu.memref_slice %arg14[%dma_start3A_101, %dma_start3A_102] : memref<128x128xf32, #tpu.memory_space<vmem>> -> memref<80x128xf32, #tpu.memory_space<vmem>>
        tpu.enqueue_dma source(%dma_start3A_103 : memref<80x128xf32, #tpu.memory_space<vmem>>) target(%dma_start3A_100 : memref<80x128xf32, #tpu.memory_space<hbm>>) target_semaphore(%run_scoped3A : memref<!tpu.dma_semaphore, #tpu.memory_space<semaphore_mem>>)
        %dma_wait3A_104 = arith.constant 0 : i32
        %dma_wait3A_105 = arith.constant 0 : i32
        %dma_wait3A_106 = tpu.memref_slice %arg14[%dma_wait3A_104, %dma_wait3A_105] : memref<128x128xf32, #tpu.memory_space<vmem>> -> memref<80x128xf32, #tpu.memory_space<vmem>>
        %dma_wait3A_107 = arith.constant 0 : i32
        %dma_wait3A_108 = arith.constant 0 : i32
        %dma_wait3A_109 = tpu.memref_slice %arg7[%arg0, %dma_wait3A_107, %dma_wait3A_108] : memref<2x80x128xf32, #tpu.memory_space<hbm>> -> memref<1x80x128xf32, #tpu.memory_space<hbm>>
        %dma_wait3A_110 = tpu.memref_squeeze %dma_wait3A_109 : memref<1x80x128xf32, #tpu.memory_space<hbm>> -> memref<80x128xf32, #tpu.memory_space<hbm>>
        %dma_wait3A_111 = arith.constant 0 : i32
        %dma_wait3A_112 = arith.constant 0 : i32
        %dma_wait3A_113 = tpu.memref_slice %arg7[%arg0, %dma_wait3A_111, %dma_wait3A_112] : memref<2x80x128xf32, #tpu.memory_space<hbm>> -> memref<1x80x128xf32, #tpu.memory_space<hbm>>
        %dma_wait3A_114 = tpu.memref_squeeze %dma_wait3A_113 : memref<1x80x128xf32, #tpu.memory_space<hbm>> -> memref<80x128xf32, #tpu.memory_space<hbm>>
        %dma_wait3A_115 = arith.constant 0 : i32
        %dma_wait3A_116 = arith.constant 0 : i32
        %dma_wait3A_117 = tpu.memref_slice %arg14[%dma_wait3A_115, %dma_wait3A_116] : memref<128x128xf32, #tpu.memory_space<vmem>> -> memref<80x128xf32, #tpu.memory_space<vmem>>
        tpu.wait_dma2 semaphore(%run_scoped3A : memref<!tpu.dma_semaphore, #tpu.memory_space<semaphore_mem>>) src(%dma_wait3A_117 : memref<80x128xf32, #tpu.memory_space<vmem>>) dst(%dma_wait3A_114 : memref<80x128xf32, #tpu.memory_space<hbm>>)
        tpu.yield
      }) : () -> ()
    } else {
    }
    return
  }
}

module attributes {stable_mosaic.version = 14 : i64} {
  func.func @_dense_body(%arg0: i32, %arg1: memref<632x128xf32, #tpu.memory_space<vmem>>, %arg2: memref<632x128xf32, #tpu.memory_space<vmem>>, %arg3: memref<632x128xf32, #tpu.memory_space<vmem>>, %arg4: memref<1x632x1xf32, #tpu.memory_space<vmem>>, %arg5: memref<1x632x1xf32, #tpu.memory_space<vmem>>, %arg6: memref<128x128xf32, #tpu.memory_space<vmem>>, %arg7: memref<128x128xf32, #tpu.memory_space<vmem>>, %arg8: memref<128x128xf32, #tpu.memory_space<vmem>>, %arg9: memref<128x128xf32, #tpu.memory_space<vmem>>, %arg10: memref<128x128xf32, #tpu.memory_space<vmem>>, %arg11: memref<128x128xf32, #tpu.memory_space<vmem>>, %arg12: memref<128x128xf32, #tpu.memory_space<vmem>>, %arg13: memref<128x128xf32, #tpu.memory_space<vmem>>, %arg14: memref<128x128xf32, #tpu.memory_space<vmem>>, %arg15: memref<384x20xf32, #tpu.memory_space<vmem>>, %arg16: memref<20xf32, #tpu.memory_space<vmem>>, %arg17: memref<20x10xf32, #tpu.memory_space<vmem>>, %arg18: memref<10xf32, #tpu.memory_space<vmem>>, %arg19: memref<10x2xf32, #tpu.memory_space<vmem>>, %arg20: memref<2xf32, #tpu.memory_space<vmem>>, %arg21: memref<632x2xf32, #tpu.memory_space<vmem>>) attributes {dimension_semantics = [#tpu.dimension_semantics<arbitrary>], iteration_bounds = array<i64: 16>, scalar_prefetch = 0 : i64, scratch_operands = 0 : i64, tpu.core_type = #tpu.core_type<tc>, window_params = [{transform_indices = @transform_0, window_bounds = array<i64: 632, 128>}, {transform_indices = @transform_1, window_bounds = array<i64: 632, 128>}, {transform_indices = @transform_2, window_bounds = array<i64: 632, 128>}, {transform_indices = @transform_3, window_bounds = array<i64: 1, 632, 1>}, {transform_indices = @transform_4, window_bounds = array<i64: 1, 632, 1>}, {pipeline_mode = #tpu.pipeline_mode<synchronous>, transform_indices = @transform_5, window_bounds = array<i64: 128, 128>}, {pipeline_mode = #tpu.pipeline_mode<synchronous>, transform_indices = @transform_6, window_bounds = array<i64: 128, 128>}, {pipeline_mode = #tpu.pipeline_mode<synchronous>, transform_indices = @transform_7, window_bounds = array<i64: 128, 128>}, {pipeline_mode = #tpu.pipeline_mode<synchronous>, transform_indices = @transform_8, window_bounds = array<i64: 128, 128>}, {pipeline_mode = #tpu.pipeline_mode<synchronous>, transform_indices = @transform_9, window_bounds = array<i64: 128, 128>}, {pipeline_mode = #tpu.pipeline_mode<synchronous>, transform_indices = @transform_10, window_bounds = array<i64: 128, 128>}, {pipeline_mode = #tpu.pipeline_mode<synchronous>, transform_indices = @transform_11, window_bounds = array<i64: 128, 128>}, {pipeline_mode = #tpu.pipeline_mode<synchronous>, transform_indices = @transform_12, window_bounds = array<i64: 128, 128>}, {pipeline_mode = #tpu.pipeline_mode<synchronous>, transform_indices = @transform_13, window_bounds = array<i64: 128, 128>}, {pipeline_mode = #tpu.pipeline_mode<synchronous>, transform_indices = @transform_14, window_bounds = array<i64: 384, 20>}, {pipeline_mode = #tpu.pipeline_mode<synchronous>, transform_indices = @transform_15, window_bounds = array<i64: 20>}, {pipeline_mode = #tpu.pipeline_mode<synchronous>, transform_indices = @transform_16, window_bounds = array<i64: 20, 10>}, {pipeline_mode = #tpu.pipeline_mode<synchronous>, transform_indices = @transform_17, window_bounds = array<i64: 10>}, {pipeline_mode = #tpu.pipeline_mode<synchronous>, transform_indices = @transform_18, window_bounds = array<i64: 10, 2>}, {pipeline_mode = #tpu.pipeline_mode<synchronous>, transform_indices = @transform_19, window_bounds = array<i64: 2>}, {transform_indices = @transform_20, window_bounds = array<i64: 632, 2>}]} {
    %get3A = arith.constant 0 : index
    %get3A_0 = arith.constant 0 : index
    %get3A_1 = vector.load %arg2[%get3A, %get3A_0] : memref<632x128xf32, #tpu.memory_space<vmem>>, vector<632x128xf32>
    %get3A_2 = arith.constant 0 : index
    %get3A_3 = arith.constant 0 : index
    %get3A_4 = vector.load %arg3[%get3A_2, %get3A_3] : memref<632x128xf32, #tpu.memory_space<vmem>>, vector<632x128xf32>
    %get3A_5 = arith.constant 0 : index
    %get3A_6 = arith.constant 0 : index
    %get3A_7 = arith.constant 0 : index
    %get3A_8 = vector.load %arg4[%get3A_5, %get3A_6, %get3A_7] : memref<1x632x1xf32, #tpu.memory_space<vmem>>, vector<1x632x1xf32>
    %get3A_9 = vector.shape_cast %get3A_8 : vector<1x632x1xf32> to vector<632x1xf32>
    %max3A = arith.constant 1.000000e+00 : f32
    %max3A_10 = vector.broadcast %max3A : f32 to vector<632x1xf32>
    %max3A_11 = arith.maximumf %get3A_9, %max3A_10 : vector<632x1xf32>
    %get3A_12 = arith.constant 0 : index
    %get3A_13 = arith.constant 0 : index
    %get3A_14 = arith.constant 0 : index
    %get3A_15 = vector.load %arg5[%get3A_12, %get3A_13, %get3A_14] : memref<1x632x1xf32, #tpu.memory_space<vmem>>, vector<1x632x1xf32>
    %get3A_16 = vector.shape_cast %get3A_15 : vector<1x632x1xf32> to vector<632x1xf32>
    %max3A_17 = arith.constant 1.000000e+00 : f32
    %max3A_18 = vector.broadcast %max3A_17 : f32 to vector<632x1xf32>
    %max3A_19 = arith.maximumf %get3A_16, %max3A_18 : vector<632x1xf32>
    %div3A = vector.broadcast %max3A_11 : vector<632x1xf32> to vector<632x128xf32>
    %div3A_20 = arith.divf %get3A_1, %div3A : vector<632x128xf32>
    %div3A_21 = vector.broadcast %max3A_19 : vector<632x1xf32> to vector<632x128xf32>
    %div3A_22 = arith.divf %get3A_4, %div3A_21 : vector<632x128xf32>
    %get3A_23 = arith.constant 0 : index
    %get3A_24 = arith.constant 0 : index
    %get3A_25 = vector.load %arg7[%get3A_23, %get3A_24] : memref<128x128xf32, #tpu.memory_space<vmem>>, vector<128x128xf32>
    %get3A_26 = arith.constant 0 : index
    %get3A_27 = arith.constant 0 : index
    %get3A_28 = vector.load %arg8[%get3A_26, %get3A_27] : memref<128x128xf32, #tpu.memory_space<vmem>>, vector<128x128xf32>
    %get3A_29 = arith.constant 0 : index
    %get3A_30 = arith.constant 0 : index
    %get3A_31 = vector.load %arg9[%get3A_29, %get3A_30] : memref<128x128xf32, #tpu.memory_space<vmem>>, vector<128x128xf32>
    %dot_general3A = arith.constant dense<0.000000e+00> : vector<128x128xf32>
    %dot_general3A_32 = tpu.matmul %get3A_25, %get3A_31, %dot_general3A {dimension_numbers = #tpu.dot_dimension_numbers<[1], [0], [0], [1], [0, 0, 1, 1], [], []>, transpose_lhs_hint = false} : vector<128x128xf32>, vector<128x128xf32>, vector<128x128xf32> -> vector<128x128xf32>
    %get3A_33 = arith.constant 0 : index
    %get3A_34 = arith.constant 0 : index
    %get3A_35 = vector.load %arg10[%get3A_33, %get3A_34] : memref<128x128xf32, #tpu.memory_space<vmem>>, vector<128x128xf32>
    %dot_general3A_36 = arith.constant dense<0.000000e+00> : vector<128x128xf32>
    %dot_general3A_37 = tpu.matmul %get3A_28, %get3A_35, %dot_general3A_36 {dimension_numbers = #tpu.dot_dimension_numbers<[1], [0], [0], [1], [0, 0, 1, 1], [], []>, transpose_lhs_hint = false} : vector<128x128xf32>, vector<128x128xf32>, vector<128x128xf32> -> vector<128x128xf32>
    %get3A_38 = arith.constant 0 : index
    %get3A_39 = arith.constant 0 : index
    %get3A_40 = vector.load %arg11[%get3A_38, %get3A_39] : memref<128x128xf32, #tpu.memory_space<vmem>>, vector<128x128xf32>
    %dot_general3A_41 = arith.constant dense<0.000000e+00> : vector<128x128xf32>
    %dot_general3A_42 = tpu.matmul %get3A_25, %get3A_40, %dot_general3A_41 {dimension_numbers = #tpu.dot_dimension_numbers<[1], [0], [0], [1], [0, 0, 1, 1], [], []>, transpose_lhs_hint = false} : vector<128x128xf32>, vector<128x128xf32>, vector<128x128xf32> -> vector<128x128xf32>
    %get3A_43 = arith.constant 0 : index
    %get3A_44 = arith.constant 0 : index
    %get3A_45 = vector.load %arg12[%get3A_43, %get3A_44] : memref<128x128xf32, #tpu.memory_space<vmem>>, vector<128x128xf32>
    %dot_general3A_46 = arith.constant dense<0.000000e+00> : vector<128x128xf32>
    %dot_general3A_47 = tpu.matmul %get3A_28, %get3A_45, %dot_general3A_46 {dimension_numbers = #tpu.dot_dimension_numbers<[1], [0], [0], [1], [0, 0, 1, 1], [], []>, transpose_lhs_hint = false} : vector<128x128xf32>, vector<128x128xf32>, vector<128x128xf32> -> vector<128x128xf32>
    %get3A_48 = arith.constant 0 : index
    %get3A_49 = arith.constant 0 : index
    %get3A_50 = vector.load %arg1[%get3A_48, %get3A_49] : memref<632x128xf32, #tpu.memory_space<vmem>>, vector<632x128xf32>
    %get3A_51 = arith.constant 0 : index
    %get3A_52 = arith.constant 0 : index
    %get3A_53 = vector.load %arg6[%get3A_51, %get3A_52] : memref<128x128xf32, #tpu.memory_space<vmem>>, vector<128x128xf32>
    %dot_general3A_54 = arith.constant dense<0.000000e+00> : vector<632x128xf32>
    %dot_general3A_55 = tpu.matmul %get3A_50, %get3A_53, %dot_general3A_54 {dimension_numbers = #tpu.dot_dimension_numbers<[1], [0], [0], [1], [0, 0, 1, 1], [], []>, transpose_lhs_hint = false} : vector<632x128xf32>, vector<128x128xf32>, vector<632x128xf32> -> vector<632x128xf32>
    %dot_general3A_56 = arith.constant dense<0.000000e+00> : vector<632x128xf32>
    %dot_general3A_57 = tpu.matmul %div3A_20, %dot_general3A_32, %dot_general3A_56 {dimension_numbers = #tpu.dot_dimension_numbers<[1], [0], [0], [1], [0, 0, 1, 1], [], []>, transpose_lhs_hint = false} : vector<632x128xf32>, vector<128x128xf32>, vector<632x128xf32> -> vector<632x128xf32>
    %dot_general3A_58 = arith.constant dense<0.000000e+00> : vector<632x128xf32>
    %dot_general3A_59 = tpu.matmul %div3A_22, %dot_general3A_37, %dot_general3A_58 {dimension_numbers = #tpu.dot_dimension_numbers<[1], [0], [0], [1], [0, 0, 1, 1], [], []>, transpose_lhs_hint = false} : vector<632x128xf32>, vector<128x128xf32>, vector<632x128xf32> -> vector<632x128xf32>
    %dot_general3A_60 = arith.constant dense<0.000000e+00> : vector<632x128xf32>
    %dot_general3A_61 = tpu.matmul %div3A_20, %dot_general3A_42, %dot_general3A_60 {dimension_numbers = #tpu.dot_dimension_numbers<[1], [0], [0], [1], [0, 0, 1, 1], [], []>, transpose_lhs_hint = false} : vector<632x128xf32>, vector<128x128xf32>, vector<632x128xf32> -> vector<632x128xf32>
    %dot_general3A_62 = arith.constant dense<0.000000e+00> : vector<632x128xf32>
    %dot_general3A_63 = tpu.matmul %div3A_22, %dot_general3A_47, %dot_general3A_62 {dimension_numbers = #tpu.dot_dimension_numbers<[1], [0], [0], [1], [0, 0, 1, 1], [], []>, transpose_lhs_hint = false} : vector<632x128xf32>, vector<128x128xf32>, vector<632x128xf32> -> vector<632x128xf32>
    %get3A_64 = arith.constant 0 : index
    %get3A_65 = arith.constant 0 : index
    %get3A_66 = vector.load %arg13[%get3A_64, %get3A_65] : memref<128x128xf32, #tpu.memory_space<vmem>>, vector<128x128xf32>
    %dot_general3A_67 = arith.constant dense<0.000000e+00> : vector<632x128xf32>
    %dot_general3A_68 = tpu.matmul %dot_general3A_55, %get3A_66, %dot_general3A_67 {dimension_numbers = #tpu.dot_dimension_numbers<[1], [0], [0], [1], [0, 0, 1, 1], [], []>, transpose_lhs_hint = false} : vector<632x128xf32>, vector<128x128xf32>, vector<632x128xf32> -> vector<632x128xf32>
    %add3A = arith.addf %dot_general3A_68, %dot_general3A_57 : vector<632x128xf32>
    %add3A_69 = arith.addf %add3A, %dot_general3A_59 : vector<632x128xf32>
    %max3A_70 = arith.constant 0.000000e+00 : f32
    %max3A_71 = vector.broadcast %max3A_70 : f32 to vector<632x128xf32>
    %max3A_72 = arith.maximumf %add3A_69, %max3A_71 : vector<632x128xf32>
    %get3A_73 = arith.constant 0 : index
    %get3A_74 = arith.constant 0 : index
    %get3A_75 = vector.load %arg14[%get3A_73, %get3A_74] : memref<128x128xf32, #tpu.memory_space<vmem>>, vector<128x128xf32>
    %dot_general3A_76 = arith.constant dense<0.000000e+00> : vector<632x128xf32>
    %dot_general3A_77 = tpu.matmul %max3A_72, %get3A_75, %dot_general3A_76 {dimension_numbers = #tpu.dot_dimension_numbers<[1], [0], [0], [1], [0, 0, 1, 1], [], []>, transpose_lhs_hint = false} : vector<632x128xf32>, vector<128x128xf32>, vector<632x128xf32> -> vector<632x128xf32>
    %add3A_78 = arith.addf %dot_general3A_77, %dot_general3A_61 : vector<632x128xf32>
    %add3A_79 = arith.addf %add3A_78, %dot_general3A_63 : vector<632x128xf32>
    %max3A_80 = arith.constant 0.000000e+00 : f32
    %max3A_81 = vector.broadcast %max3A_80 : f32 to vector<632x128xf32>
    %max3A_82 = arith.maximumf %add3A_79, %max3A_81 : vector<632x128xf32>
    %get3A_83 = arith.constant 0 : index
    %get3A_84 = arith.constant 0 : index
    %get3A_85 = vector.load %arg15[%get3A_83, %get3A_84] : memref<384x20xf32, #tpu.memory_space<vmem>>, vector<384x20xf32>
    %slice3A = vector.extract_strided_slice %get3A_85 {offsets = [0, 0], sizes = [128, 20], strides = [1, 1]} : vector<384x20xf32> to vector<128x20xf32>
    %dot_general3A_86 = arith.constant dense<0.000000e+00> : vector<632x20xf32>
    %dot_general3A_87 = tpu.matmul %max3A_72, %slice3A, %dot_general3A_86 {dimension_numbers = #tpu.dot_dimension_numbers<[1], [0], [0], [1], [0, 0, 1, 1], [], []>, transpose_lhs_hint = false} : vector<632x128xf32>, vector<128x20xf32>, vector<632x20xf32> -> vector<632x20xf32>
    %slice3A_88 = vector.extract_strided_slice %get3A_85 {offsets = [128, 0], sizes = [128, 20], strides = [1, 1]} : vector<384x20xf32> to vector<128x20xf32>
    %dot_general3A_89 = arith.constant dense<0.000000e+00> : vector<632x20xf32>
    %dot_general3A_90 = tpu.matmul %max3A_82, %slice3A_88, %dot_general3A_89 {dimension_numbers = #tpu.dot_dimension_numbers<[1], [0], [0], [1], [0, 0, 1, 1], [], []>, transpose_lhs_hint = false} : vector<632x128xf32>, vector<128x20xf32>, vector<632x20xf32> -> vector<632x20xf32>
    %add3A_91 = arith.addf %dot_general3A_87, %dot_general3A_90 : vector<632x20xf32>
    %slice3A_92 = vector.extract_strided_slice %get3A_85 {offsets = [256, 0], sizes = [128, 20], strides = [1, 1]} : vector<384x20xf32> to vector<128x20xf32>
    %dot_general3A_93 = arith.constant dense<0.000000e+00> : vector<632x20xf32>
    %dot_general3A_94 = tpu.matmul %dot_general3A_55, %slice3A_92, %dot_general3A_93 {dimension_numbers = #tpu.dot_dimension_numbers<[1], [0], [0], [1], [0, 0, 1, 1], [], []>, transpose_lhs_hint = false} : vector<632x128xf32>, vector<128x20xf32>, vector<632x20xf32> -> vector<632x20xf32>
    %add3A_95 = arith.addf %add3A_91, %dot_general3A_94 : vector<632x20xf32>
    %get3A_96 = arith.constant 0 : index
    %get3A_97 = vector.load %arg16[%get3A_96] : memref<20xf32, #tpu.memory_space<vmem>>, vector<20xf32>
    %broadcast_in_dim3A = vector.shape_cast %get3A_97 : vector<20xf32> to vector<1x20xf32>
    %add3A_98 = vector.broadcast %broadcast_in_dim3A : vector<1x20xf32> to vector<632x20xf32>
    %add3A_99 = arith.addf %add3A_95, %add3A_98 : vector<632x20xf32>
    %get3A_100 = arith.constant 0 : index
    %get3A_101 = arith.constant 0 : index
    %get3A_102 = vector.load %arg17[%get3A_100, %get3A_101] : memref<20x10xf32, #tpu.memory_space<vmem>>, vector<20x10xf32>
    %dot_general3A_103 = arith.constant dense<0.000000e+00> : vector<632x10xf32>
    %dot_general3A_104 = tpu.matmul %add3A_99, %get3A_102, %dot_general3A_103 {dimension_numbers = #tpu.dot_dimension_numbers<[1], [0], [0], [1], [0, 0, 1, 1], [], []>, transpose_lhs_hint = false} : vector<632x20xf32>, vector<20x10xf32>, vector<632x10xf32> -> vector<632x10xf32>
    %get3A_105 = arith.constant 0 : index
    %get3A_106 = vector.load %arg18[%get3A_105] : memref<10xf32, #tpu.memory_space<vmem>>, vector<10xf32>
    %broadcast_in_dim3A_107 = vector.shape_cast %get3A_106 : vector<10xf32> to vector<1x10xf32>
    %add3A_108 = vector.broadcast %broadcast_in_dim3A_107 : vector<1x10xf32> to vector<632x10xf32>
    %add3A_109 = arith.addf %dot_general3A_104, %add3A_108 : vector<632x10xf32>
    %logistic3A = arith.negf %add3A_109 : vector<632x10xf32>
    %logistic3A_110 = math.exp %logistic3A : vector<632x10xf32>
    %logistic3A_111 = arith.constant 1.000000e+00 : f32
    %logistic3A_112 = vector.broadcast %logistic3A_111 : f32 to vector<632x10xf32>
    %logistic3A_113 = arith.addf %logistic3A_112, %logistic3A_110 : vector<632x10xf32>
    %logistic3A_114 = arith.divf %logistic3A_112, %logistic3A_113 : vector<632x10xf32>
    %get3A_115 = arith.constant 0 : index
    %get3A_116 = arith.constant 0 : index
    %get3A_117 = vector.load %arg19[%get3A_115, %get3A_116] : memref<10x2xf32, #tpu.memory_space<vmem>>, vector<10x2xf32>
    %dot_general3A_118 = arith.constant dense<0.000000e+00> : vector<632x2xf32>
    %dot_general3A_119 = tpu.matmul %logistic3A_114, %get3A_117, %dot_general3A_118 {dimension_numbers = #tpu.dot_dimension_numbers<[1], [0], [0], [1], [0, 0, 1, 1], [], []>, transpose_lhs_hint = false} : vector<632x10xf32>, vector<10x2xf32>, vector<632x2xf32> -> vector<632x2xf32>
    %get3A_120 = arith.constant 0 : index
    %get3A_121 = vector.load %arg20[%get3A_120] : memref<2xf32, #tpu.memory_space<vmem>>, vector<2xf32>
    %broadcast_in_dim3A_122 = vector.shape_cast %get3A_121 : vector<2xf32> to vector<1x2xf32>
    %add3A_123 = vector.broadcast %broadcast_in_dim3A_122 : vector<1x2xf32> to vector<632x2xf32>
    %add3A_124 = arith.addf %dot_general3A_119, %add3A_123 : vector<632x2xf32>
    %logistic3A_125 = arith.negf %add3A_124 : vector<632x2xf32>
    %logistic3A_126 = math.exp %logistic3A_125 : vector<632x2xf32>
    %logistic3A_127 = arith.constant 1.000000e+00 : f32
    %logistic3A_128 = vector.broadcast %logistic3A_127 : f32 to vector<632x2xf32>
    %logistic3A_129 = arith.addf %logistic3A_128, %logistic3A_126 : vector<632x2xf32>
    %logistic3A_130 = arith.divf %logistic3A_128, %logistic3A_129 : vector<632x2xf32>
    %swap3A = arith.constant 0 : index
    %swap3A_131 = arith.constant 0 : index
    %swap3A_132 = vector.load %arg21[%swap3A, %swap3A_131] : memref<632x2xf32, #tpu.memory_space<vmem>>, vector<632x2xf32>
    tpu.vector_store %arg21[%swap3A, %swap3A_131], %logistic3A_130 {strides = array<i32>} : memref<632x2xf32, #tpu.memory_space<vmem>>, vector<632x2xf32>,
    return
  }
  func.func @transform_0(%arg0: i32) -> (i32, i32) {
    %c0_i32 = arith.constant 0 : i32
    %c0_i32_0 = arith.constant 0 : i32
    return %arg0, %c0_i32 : i32, i32
  }
  func.func @transform_1(%arg0: i32) -> (i32, i32) {
    %c0_i32 = arith.constant 0 : i32
    %c0_i32_0 = arith.constant 0 : i32
    return %arg0, %c0_i32 : i32, i32
  }
  func.func @transform_2(%arg0: i32) -> (i32, i32) {
    %add3A = arith.constant 16 : i32
    %add3A_0 = arith.addi %arg0, %add3A : i32
    %c0_i32 = arith.constant 0 : i32
    %c0_i32_1 = arith.constant 0 : i32
    return %add3A_0, %c0_i32 : i32, i32
  }
  func.func @transform_3(%arg0: i32) -> (i32, i32, i32) {
    %c0_i32 = arith.constant 0 : i32
    %c0_i32_0 = arith.constant 0 : i32
    %c0_i32_1 = arith.constant 0 : i32
    return %c0_i32, %arg0, %c0_i32_0 : i32, i32, i32
  }
  func.func @transform_4(%arg0: i32) -> (i32, i32, i32) {
    %c1_i32 = arith.constant 1 : i32
    %c0_i32 = arith.constant 0 : i32
    %c0_i32_0 = arith.constant 0 : i32
    return %c1_i32, %arg0, %c0_i32 : i32, i32, i32
  }
  func.func @transform_5(%arg0: i32) -> (i32, i32) {
    %c0_i32 = arith.constant 0 : i32
    %c0_i32_0 = arith.constant 0 : i32
    %c0_i32_1 = arith.constant 0 : i32
    return %c0_i32, %c0_i32_0 : i32, i32
  }
  func.func @transform_6(%arg0: i32) -> (i32, i32) {
    %c0_i32 = arith.constant 0 : i32
    %c0_i32_0 = arith.constant 0 : i32
    %c0_i32_1 = arith.constant 0 : i32
    return %c0_i32, %c0_i32_0 : i32, i32
  }
  func.func @transform_7(%arg0: i32) -> (i32, i32) {
    %c0_i32 = arith.constant 0 : i32
    %c0_i32_0 = arith.constant 0 : i32
    %c0_i32_1 = arith.constant 0 : i32
    return %c0_i32, %c0_i32_0 : i32, i32
  }
  func.func @transform_8(%arg0: i32) -> (i32, i32) {
    %c0_i32 = arith.constant 0 : i32
    %c0_i32_0 = arith.constant 0 : i32
    %c0_i32_1 = arith.constant 0 : i32
    return %c0_i32, %c0_i32_0 : i32, i32
  }
  func.func @transform_9(%arg0: i32) -> (i32, i32) {
    %c0_i32 = arith.constant 0 : i32
    %c0_i32_0 = arith.constant 0 : i32
    %c0_i32_1 = arith.constant 0 : i32
    return %c0_i32, %c0_i32_0 : i32, i32
  }
  func.func @transform_10(%arg0: i32) -> (i32, i32) {
    %c0_i32 = arith.constant 0 : i32
    %c0_i32_0 = arith.constant 0 : i32
    %c0_i32_1 = arith.constant 0 : i32
    return %c0_i32, %c0_i32_0 : i32, i32
  }
  func.func @transform_11(%arg0: i32) -> (i32, i32) {
    %c0_i32 = arith.constant 0 : i32
    %c0_i32_0 = arith.constant 0 : i32
    %c0_i32_1 = arith.constant 0 : i32
    return %c0_i32, %c0_i32_0 : i32, i32
  }
  func.func @transform_12(%arg0: i32) -> (i32, i32) {
    %c0_i32 = arith.constant 0 : i32
    %c0_i32_0 = arith.constant 0 : i32
    %c0_i32_1 = arith.constant 0 : i32
    return %c0_i32, %c0_i32_0 : i32, i32
  }
  func.func @transform_13(%arg0: i32) -> (i32, i32) {
    %c0_i32 = arith.constant 0 : i32
    %c0_i32_0 = arith.constant 0 : i32
    %c0_i32_1 = arith.constant 0 : i32
    return %c0_i32, %c0_i32_0 : i32, i32
  }
  func.func @transform_14(%arg0: i32) -> (i32, i32) {
    %c0_i32 = arith.constant 0 : i32
    %c0_i32_0 = arith.constant 0 : i32
    %c0_i32_1 = arith.constant 0 : i32
    return %c0_i32, %c0_i32_0 : i32, i32
  }
  func.func @transform_15(%arg0: i32) -> i32 {
    %c0_i32 = arith.constant 0 : i32
    %c0_i32_0 = arith.constant 0 : i32
    return %c0_i32 : i32
  }
  func.func @transform_16(%arg0: i32) -> (i32, i32) {
    %c0_i32 = arith.constant 0 : i32
    %c0_i32_0 = arith.constant 0 : i32
    %c0_i32_1 = arith.constant 0 : i32
    return %c0_i32, %c0_i32_0 : i32, i32
  }
  func.func @transform_17(%arg0: i32) -> i32 {
    %c0_i32 = arith.constant 0 : i32
    %c0_i32_0 = arith.constant 0 : i32
    return %c0_i32 : i32
  }
  func.func @transform_18(%arg0: i32) -> (i32, i32) {
    %c0_i32 = arith.constant 0 : i32
    %c0_i32_0 = arith.constant 0 : i32
    %c0_i32_1 = arith.constant 0 : i32
    return %c0_i32, %c0_i32_0 : i32, i32
  }
  func.func @transform_19(%arg0: i32) -> i32 {
    %c0_i32 = arith.constant 0 : i32
    %c0_i32_0 = arith.constant 0 : i32
    return %c0_i32 : i32
  }
  func.func @transform_20(%arg0: i32) -> (i32, i32) {
    %c0_i32 = arith.constant 0 : i32
    %c0_i32_0 = arith.constant 0 : i32
    return %arg0, %c0_i32 : i32, i32
  }
}

</mosaic_0001>

<sc_bundles>
// kernel: kernel.4.cloned.1.call-start
scs
__scs_entry_jumppad:
0x0: {  	(pc) =	sbr.rel $0x88, $3  }
0x1: {  	(tag) =	ssettag $0x0;
	lr =	simm.s32 $0x1  }
0x2: {  	[smem:$0x3F8D] =	sst lr;
	_ =	strace $0xD0000000  }
0x3: {  	_ = 	snop  }
0x4: {  	_ = 	snop  }
0x5: {  	_ = 	snop  }
0x6: {  	_ = 	snop  }
0x7: {  	_ = 	snop  }
__scs_overlays_trampoline_lowered:
0x8: {  	[smem:$0x3F9C] =	sst s0  }
0x9: {  	[smem:$0x3F9D] =	sst s1  }
0xa: {  	[smem:$0x3F9E] =	sst s2  }
0xb: {  	[smem:$0x3F9F] =	sst s3  }
0xc: {  	[smem:$0x3FA0] =	sst s4  }
0xd: {  	[smem:$0x3FA1] =	sst s5  }
0xe: {  	[smem:$0x3FA2] =	sst s6  }
0xf: {  	[smem:$0x3FA3] =	sst s7  }
0x10: {  	[smem:$0x3FA4] =	sst s8  }
0x11: {  	[smem:$0x3FA5] =	sst s9;
	s0 =	simm.s32 @!p0 $0x0  }
0x12: {  	s1 =	sld [smem:$0x3F8B];
	s0 =	simm.s32 @p0 $0x1  }
0x13: {  	[smem:$0x3FA6] =	sst s0;
	s0 =	simm.s32 @!p1 $0x0  }
0x14: {  	s2 =	sld [smem:$0x3F8A];
	s0 =	simm.s32 @p1 $0x1  }
0x15: {  	[smem:$0x3FA7] =	sst s0;
	s0 =	simm.s32 @!p2 $0x0  }
0x16: {  	s3 =	sld [smem:$0x3FDB];
	s0 =	simm.s32 @p2 $0x1  }
0x17: {  	s4 =	simm.s32 $0x1BF5;
	[smem:$0x3FA9] =	sst s0  }
0x18: {  	s0 =	sld [smem:$0x3F8C];
	_ =	swait.ge [sflag:s4], $0x0  }
0x19: {  	s7 =	sld [smem:$0x3F8D]  }
0x1a: {  	s8 =	sadd.s32 $0xFFFFE003, lr  }
0x1b: {  	s9 =	sadd.s32 $0xFFFFFEF7, lr;
	s5 =	simm.s32 $0xFFFFFFFF;
	p2 =	slt.u32 s8, $0xFFFFF086  }
0x1c: {  	p1 =	slt.u32 s9, $0xF7A;
	s5 =	simm.s32 @!p2 $0x0  }
0x1d: {  	s5 =	simm.s32 @p1 $0x1;
	p0 =	seq.s32 s7, s2  }
0x1e: {  	s7 =	smul.u32 @!p0 $0xF7A, s2;
	p2 =	seq.s32 @!p0 s5, $0x0  }
0x1f: {  	s9 =	smul.u32 $0xF7A, s1;
	s8 =	simm.s32 @!p0 $0x1BF5;
	p2 =	por !p2, p0  }
0x20: {  	[sflag:s8] =	ssyncset.s32 @!p0 $0xFFFFF086;
	s6 =	sadd.s32 @!p0 s3, s7;
	s7 =	simm.s32 @!p0 $0x108  }
0x21: {  	s3 =	sadd.s32 s3, s9;
	s6 =	sadd.s32 @!p0 $0x88, s6;
	s7 =	simm.s32 @p2 $0x1082  }
0x22: {  	[simem:s7], [sflag:s8] =	dma.local @!p0 [hbm:s6], $0xF7A  }
0x23: {  	s9 =	sor.u32 $0xD0000000, s2;
	s6 =	simm.s32 $0x108;
	_ =	swait.ge @!p0 [sflag:s8], $0x0  }
0x24: {  	s3 =	sadd.s32 $0x88, s3;
	s6 =	simm.s32 @!p1 $0x1082;
	[sflag:s4] =	ssyncset.s32 $0xFFFFF086  }
0x25: {  	[simem:s6], [sflag:s4] =	dma.local [hbm:s3], $0xF7A  }
0x26: {  	[smem:$0x3F8D] =	sst s1;
	(tag) =	ssettag s2;
	_ =	strace s9  }
0x27: {  	s1 =	sld [smem:$0x3F9D]  }
0x28: {  	s2 =	sld [smem:$0x3F9E]  }
0x29: {  	s4 =	sld [smem:$0x3FA0]  }
0x2a: {  	p0 =	seq.s32 s5, $0x0;
	s5 =	sld [smem:$0x3FA1]  }
0x2b: {  	s6 =	sld [smem:$0x3FA2]  }
0x2c: {  	s7 =	sld [smem:$0x3FA3]  }
0x2d: {  	s3 =	simm.s32 $0x108;
	s8 =	sld [smem:$0x3FA4]  }
0x2e: {  	s3 =	simm.s32 @!p0 $0x1082;
	s9 =	sld [smem:$0x3FA5]  }
0x2f: {  	lr =	sadd.s32 s0, s3;
	s0 =	sld [smem:$0x3F9C]  }
0x30: {  	s3 =	sld [smem:$0x3F9F]  }
0x31: {  	[smem:$0x3FA8] =	sst s10  }
0x32: {  	s10 =	sld [smem:$0x3FA6];
	_ =	sdelay $0x3  }
0x33: {  	p0 =	seq.s32 s10, $0x1;
	s10 =	sld [smem:$0x3FA8];
	_ =	sdelay $0x3  }
0x34: {  	[smem:$0x3FA8] =	sst s10  }
0x35: {  	s10 =	sld [smem:$0x3FA7];
	_ =	sdelay $0x3  }
0x36: {  	p1 =	seq.s32 s10, $0x1;
	s10 =	sld [smem:$0x3FA8];
	_ =	sdelay $0x3  }
0x37: {  	[smem:$0x3FA8] =	sst s10  }
0x38: {  	s10 =	sld [smem:$0x3FA9]  }
0x39: {  	_ = 	snop;
	(pc) =	sbr.ind lr, $3  }
0x3a: {  	_ = 	snop  }
0x3b: {  	_ = 	snop  }
0x3c: {  	p2 =	seq.s32 s10, $0x1;
	s10 =	sld [smem:$0x3FA8]  }
0x3d: {  	_ =	shalt  }
0x3e: {  	_ =	shalt  }
0x3f: {  	_ =	shalt  }
0x40: {  	_ =	shalt  }
0x41: {  	_ =	shalt  }
0x42: {  	_ =	shalt  }
0x43: {  	_ =	shalt  }
0x44: {  	_ =	shalt  }
0x45: {  	_ =	shalt  }
0x46: {  	_ =	shalt  }
0x47: {  	_ =	shalt  }
0x48: {  	_ =	shalt  }
0x49: {  	_ =	shalt  }
0x4a: {  	_ =	shalt  }
0x4b: {  	_ =	shalt  }
0x4c: {  	_ =	shalt  }
0x4d: {  	_ =	shalt  }
0x4e: {  	_ =	shalt  }
0x4f: {  	_ =	shalt  }
0x50: {  	_ =	shalt  }
0x51: {  	_ =	shalt  }
0x52: {  	_ =	shalt  }
0x53: {  	_ =	shalt  }
0x54: {  	_ =	shalt  }
0x55: {  	_ =	shalt  }
0x56: {  	_ =	shalt  }
0x57: {  	_ =	shalt  }
0x58: {  	_ =	shalt  }
0x59: {  	_ =	shalt  }
0x5a: {  	_ =	shalt  }
0x5b: {  	_ =	shalt  }
0x5c: {  	_ =	shalt  }
0x5d: {  	_ =	shalt  }
0x5e: {  	_ =	shalt  }
0x5f: {  	_ =	shalt  }
0x60: {  	_ =	shalt  }
0x61: {  	_ =	shalt  }
0x62: {  	_ =	shalt  }
0x63: {  	_ =	shalt  }
0x64: {  	_ =	shalt  }
0x65: {  	_ =	shalt  }
0x66: {  	_ =	shalt  }
0x67: {  	_ =	shalt  }
0x68: {  	_ =	shalt  }
0x69: {  	_ =	shalt  }
0x6a: {  	_ =	shalt  }
0x6b: {  	_ =	shalt  }
0x6c: {  	_ =	shalt  }
0x6d: {  	_ =	shalt  }
0x6e: {  	_ =	shalt  }
0x6f: {  	_ =	shalt  }
0x70: {  	_ =	shalt  }
0x71: {  	_ =	shalt  }
0x72: {  	_ =	shalt  }
0x73: {  	_ =	shalt  }
0x74: {  	_ =	shalt  }
0x75: {  	_ =	shalt  }
0x76: {  	_ =	shalt  }
0x77: {  	_ =	shalt  }
0x78: {  	_ =	shalt  }
0x79: {  	_ =	shalt  }
0x7a: {  	_ =	shalt  }
0x7b: {  	_ =	shalt  }
0x7c: {  	_ =	shalt  }
0x7d: {  	_ =	shalt  }
0x7e: {  	_ =	shalt  }
0x7f: {  	_ =	shalt  }
0x80: {  	_ =	shalt  }
0x81: {  	_ =	shalt  }
0x82: {  	_ =	shalt  }
0x83: {  	_ =	shalt  }
0x84: {  	_ =	shalt  }
0x85: {  	_ =	shalt  }
0x86: {  	_ =	shalt  }
0x87: {  	_ =	shalt  }
.Lfunc_end0:
.L_simem_size_0:
called_computation_lowered:
.L_overlay_start_0:
0x88: {  	s2 =	sld [smem:$0x3FD9]  }
0x89: {  	s3 =	sld [smem:$0x3FFE];
	_ =	sdelay $0x1  }
0x8a: {  	s1 =	srdreg.scid  }
0x8b: {  	s0 =	sand.u32 $0x1, s1  }
0x8c: {  	s17 =	sshll.u32 s0, $0xA;
	s2 =	sadd.s32 s3, s2  }
0x8d: {  	s2 =	sadd.s32 s2, s17  }
0x8e: {  	[smem:$0x3FB4] =	sst s2  }
0x8f: {  	_ = 	snop  }
0x90: {  	s2 =	sld [smem:$0x3FD0];
	(tm) =	ssettm $0x1  }
0x91: {  	s18 =	sld [smem:$0x3FFB];
	_ =	sdelay $0x3  }
0x92: {  	_ =	strace s18  }
0x93: {  	s3 =	sld [smem:$0x3FFC];
	_ =	sdelay $0x3  }
0x94: {  	_ =	strace s3  }
0x95: {  	s3 =	sld [smem:$0x3FFD];
	_ =	sdelay $0x3  }
0x96: {  	_ =	strace s3  }
0x97: {  	_ =	strace $0x8FFFFFFF  }
0x98: {  	s19 =	sld [smem:$0x3FDB];
	_ =	sdelay $0x1  }
0x99: {  	s4 =	simm.s32 $_scs_section_size  }
0x9a: {  	s5 =	simm.s32 $_size__tile_overlayer_lowered;
	s6 =	simm.s32 $_tile_overlayer_lowered  }
0x9b: {  	s22 =	simm.s32 $0x1BFF;
	s21 =	sshll.u32 s6, $0x1;
	s3 =	sadd.s32 s4, s19  }
0x9c: {  	s7 =	simm.s32 $0x0;
	s20 =	sshll.u32 s5, $0x1;
	s5 =	sadd.s32 s21, s3  }
0x9d: {  	[timem:s7], [sflag:s22] =	dma.local [hbm:s5], s20  }
0x9e: {  	_ =	swait.ge [sflag:s22], s20  }
0x9f: {  	s4 =	ssub.s32 $0x0, s20;
	[sflag:s22] =	ssyncset.done $0x0  }
0xa0: {  	[sflag:s22] =	ssyncadd.s32 s4;
	_ =	sdelay $0x1  }
0xa1: {  	s23 =	simm.s32 $0x1B8B  }
0xa2: {  	_ =	swait.ge [sflag:s23], $0x1  }
0xa3: {  	[sflag:s23] =	ssyncset.done $0x0  }
0xa4: {  	s25 =	simm.s32 $0x1B8E;
	s24 =	sld [smem:$0x3FFE];
	[sflag:s23] =	ssyncadd.s32 $0xFFFFFFFF  }
0xa5: {  	s26 =	simm.s32 $execute0_lowered;
	[smem:$0x3FD2] =	sst s25  }
0xa6: {  	s5 =	sshll.u32 s26, $0x1;
	_ =	strace $0x80000046;
	[dreg:$0x1] =	wrdreg $0xFFFFFFFF  }
0xa7: {  	s28 =	simm.s32 $_size_execute0_lowered;
	s3 =	sadd.s32 s3, s5;
	[dreg:$0x0] =	wrdreg $0x0  }
0xa8: {  	s5 =	sshll.u32 s28, $0x1;
	[dreg:$0x2] =	wrdreg s3  }
0xa9: {  	[dreg:$0x3] =	wrdreg s5  }
0xaa: {  	[dreg:$0x4] =	wrdreg $0xC0  }
0xab: {  	_ =	task [dreg:s7], $0x5FFFF  }
0xac: {  	[dreg:$0x1] =	wrdreg $0xFFFFFFFF  }
0xad: {  	[dreg:$0x0] =	wrdreg $0x60  }
0xae: {  	[dreg:$0x2] =	wrdreg s24  }
0xaf: {  	[dreg:$0x3] =	wrdreg s2  }
0xb0: {  	[dreg:$0x4] =	wrdreg $0xAB800  }
0xb1: {  	[dreg:$0x5] =	wrdreg $0x1E7800  }
0xb2: {  	[dreg:$0x6] =	wrdreg $0x9  }
0xb3: {  	_ =	task.clear_ibuf [dreg:s7], $0x7FFFF;
	_ =	strace $0x90000046  }
0xb4: {  	s29 =	simm.s32 $0x9;
	_ =	strace $0x80000048  }
0xb5: {  	_ =	swait.ge [sflag:s29], $0x1  }
0xb6: {  	[sflag:s29] =	ssyncadd.s32 $0xFFFFFFFF  }
0xb7: {  	_ =	strace $0x90000048  }
0xb8: {  	_ =	sfence  }
0xb9: {  	s30 =	sld [smem:$0x0];
	_ =	sdelay $0x2  }
0xba: {  	s31 =	sshll.u32 s1, $0xD;
	s1 =	sshrl.u32 s1, $0x2  }
0xbb: {  	s3 =	sand.u32 $0x4000, s31;
	s1 =	sadd.s32 s1, s30  }
0xbc: {  	s0 =	sor.u32 s3, s0;
	s1 =	sshll.u32 s1, $0x11  }
0xbd: {  	s0 =	sor.u32 s1, s0  }
0xbe: {  	s0 =	sadd.s32 $0x8F2B, s0  }
0xbf: {  	[sflag:s0] =	ssyncadd.remote.s32 $0x1  }
0xc0: {  	_ =	sfence.sel $0xFFFF  }
0xc1: {  	[dreg:$0x0] =	wrdreg $0xFFFFFFFF;
	(pc) =	sbr.abs _section_cstart, $3  }
0xc2: {  	[dreg:$0x1] =	wrdreg $0xFFFFFFFF  }
0xc3: {  	_ =	task.clear_ibuf [dreg:s7], $0x2FFFF;
	_ =	strace $0x9FFFFFFF  }
0xc4: {  	(tm) =	ssettm $0x7FFFFFFF  }
0xc5: {  	_ =	shalt  }
tec
execute0_lowered:
.L_overlay_start_1:
0x0: {  	(tag) =	ssettag $0x1  }
0x1: {  	s2 =	rddreg [dreg:$0x0]  }
0x2: {  	s1 =	rddreg [dreg:$0x2];
	s4 =	srdreg.scid  }
0x3: {  	s0 =	stileid.u32;
	s3 =	rddreg [dreg:$0x3];
	s28 =	simm.s32 $0x180  }
0x4: {  	s29 =	simm.s32 $0x6;
	s30 =	simm.s32 $0x4300;
	s7 =	smul.u32 $0x278, s0  }
0x5: {  	s31 =	simm.s32 $0x1;
	s6 =	sand.u32 $0x1, s4;
	s16 =	smul.u32 $0x4F000, s0  }
0x6: {  	s4 =	simm.s32 $0x0;
	s5 =	sadd.s32 $0x2C00, s2;
	s10 =	smul.u32 $0x50, s0  }
0x7: {  	s11 =	sadd.s32 $0x51000, s2;
	s12 =	sadd.s32 $0x5B000, s2;
	s8 =	smul.u32 $0x2780, s6  }
0x8: {  	p0 =	sne.s32 s0, $0x0;
	[smem:$0x7FF] =	sst s4;
	s9 =	smul.u32 $0x500, s6  }
0x9: {  	s17 =	ssub.s32 $0x2, s6;
	s15 =	smul.u32 $0x28000, s6;
	_ =	strace $0x80000047  }
0xa: {  	s14 =	sshrl.u32 s17, $0x1;
	s7 =	sadd.s32 s7, s8;
	s10 =	sadd.s32 s10, s9  }
0xb: {  	s14 =	ssub.s32 s17, s14;
	s7 =	sshll.u32 s7, $0x4;
	s17 =	sshll.u32 s10, $0x4  }
0xc: {  	s13 =	sadd.s32 s7, s2;
	s2 =	sadd.s32 s9, s2;
	s7 =	sshrl.u32 s16, $0x2  }
0xd: {  	s16 =	smul.u32 $0x2800, s0;
	s18 =	sadd.s32 s11, s17;
	s0 =	simm.s32 $0x3  }
0xe: {  	s6 =	sadd.s32 s7, s1;
	[dreg:$0xe] =	wrdreg s18;
	s18 =	sadd.s32 s12, s17  }
0xf: {  	s17 =	sor.u32 $0x10, s17;
	s2 =	sadd.s32 $0x65000, s2;
	s7 =	sadd.s32 $0x4000, s6  }
0x10: {  	s8 =	sadd.s32 $0x8000, s6;
	s15 =	sadd.s32 s16, s15;
	[dreg:$0xf] =	wrdreg s18  }
0x11: {  	s20 =	sadd.s32 s11, s17;
	s17 =	sadd.s32 s12, s17;
	[dreg:$0x17] =	wrdreg s2  }
0x12: {  	s19 =	sor.u32 $0x280, s15;
	[dreg:$0x10] =	wrdreg s20;
	s24 =	sor.u32 $0x180, s15  }
0x13: {  	[dreg:$0x11] =	wrdreg s17;
	s20 =	sadd.s32 $0x65A00, s13;
	s16 =	sshrl.u32 s19, $0x3  }
0x14: {  	s19 =	sor.u32 $0x200, s15;
	[dreg:$0x12] =	wrdreg s20;
	s21 =	sadd.s32 s16, s12  }
0x15: {  	s26 =	sshrl.u32 s24, $0x3;
	s16 =	sadd.s32 s16, s11;
	[dreg:$0x5] =	wrdreg s21  }
0x16: {  	s22 =	sshrl.u32 s19, $0x3;
	s19 =	sadd.s32 s26, s12;
	[dreg:$0x6] =	wrdreg s16  }
0x17: {  	s9 =	sadd.s32 $0xC000, s6;
	s18 =	sadd.s32 s26, s11;
	[dreg:$0x9] =	wrdreg s19  }
0x18: {  	s10 =	sadd.s32 $0x10000, s6;
	s26 =	simm.s32 $0x280;
	[dreg:$0xa] =	wrdreg s18  }
0x19: {  	s2 =	simm.s32 $0x200;
	s23 =	sadd.s32 s22, s12;
	[dreg:$0xd] =	wrdreg s26  }
0x1a: {  	s15 =	sor.u32 $0x100, s15;
	s25 =	sadd.s32 s22, s11;
	[dreg:$0x7] =	wrdreg s23  }
0x1b: {  	s15 =	sshrl.u32 s15, $0x3;
	s21 =	sadd.s32 $0x66200, s13;
	[dreg:$0x8] =	wrdreg s25  }
0x1c: {  	s22 =	sadd.s32 $0x66A00, s13;
	s24 =	sadd.s32 s15, s12;
	[dreg:$0x13] =	wrdreg s21  }
0x1d: {  	s26 =	simm.s32 $0x100;
	s12 =	simm.s32 $0x2;
	[dreg:$0x14] =	wrdreg s22  }
0x1e: {  	s23 =	sadd.s32 $0x67200, s13;
	s13 =	sadd.s32 $0x67A00, s13;
	[dreg:$0xb] =	wrdreg s24  }
0x1f: {  	s21 =	smax.u32 s14, $0x1;
	s25 =	sadd.s32 s15, s11;
	[dreg:$0x15] =	wrdreg s23  }
0x20: {  	v0 =	vlaneseq.u32;
	s22 =	simm.s32 $0x300;
	s24 =	simm.s32 $0x8300;
	[dreg:$0x16] =	wrdreg s13  }
0x21: {  	v5 =	vimm.f32 $1.000000000e+00;
	v1 =	vor.u32 $0x10, v0;
	s11 =	simm.s32 $0x5;
	s14 =	simm.s32 $0x0;
	[dreg:$0xc] =	wrdreg s25  }
0x22: {  	v2 =	vor.u32 $0x20, v0;
	v3 =	vor.u32 $0x30, v0;
	v4 =	vor.u32 $0x40, v0;
	s23 =	simm.s32 $0x7;
	s25 =	simm.s32 $0x80;
	s13 =	simm.s32 $0x4  }
.LBB2_1:
0x23: {  	s15 =	rddreg [dreg:$0x1]  }
0x24: {  	[tilespmem:s22], [sflag:$0x7] =	stream.linear.gather [hbm4b:s15+s4], $0x4000, $0x38;
	[tilespmem:$0x1EA00] =	vst v63  }
0x25: {  	_ =	swait.ge [sflag:s23], $0x4000  }
0x26: {  	[sflag:s23] =	ssyncset.done $0x0  }
0x27: {  	[sflag:s23] =	ssyncadd.s32 $0xFFFFC000  }
0x28: {  	[tilespmem:s24], [sflag:$0x7] =	stream.linear.gather [hbm4b:s15+s4], $0x2800, $0x38;
	[tilespmem:$0x1EA00] =	vst v63  }
0x29: {  	_ =	swait.ge [sflag:s23], $0x2800  }
0x2a: {  	[sflag:s23] =	ssyncset.done $0x0  }
0x2b: {  	[sflag:s23] =	ssyncadd.s32 $0xFFFFD800  }
0x2c: {  	[tilespmem:$0xAB00] =	vst v0  }
0x2d: {  	[tilespmem:$0xAB10] =	vst v1  }
0x2e: {  	[tilespmem:$0xAB20] =	vst v2  }
0x2f: {  	[tilespmem:$0xAB30] =	vst v3  }
0x30: {  	[tilespmem:$0xAB40] =	vst v4  }
0x31: {  	[spmem:s6] =	stream.linear.scatter [tilespmem:s22], [sflag:$0x7], $0x4000, $0x38;
	[tilespmem:$0x1EA00] =	vst v63  }
0x32: {  	_ =	swait.ge [sflag:s23], $0x4000  }
0x33: {  	[sflag:s23] =	ssyncset.done $0x0  }
0x34: {  	[sflag:s23] =	ssyncadd.s32 $0xFFFFC000  }
0x35: {  	[spmem:s7] =	stream.linear.scatter [tilespmem:s22], [sflag:$0x7], $0x4000, $0x38;
	[tilespmem:$0x1EA00] =	vst v63  }
0x36: {  	_ =	swait.ge [sflag:s23], $0x4000  }
0x37: {  	[sflag:s23] =	ssyncset.done $0x0  }
0x38: {  	[sflag:s23] =	ssyncadd.s32 $0xFFFFC000  }
0x39: {  	[spmem:s8] =	stream.linear.scatter [tilespmem:s22], [sflag:$0x7], $0x4000, $0x38;
	[tilespmem:$0x1EA00] =	vst v63  }
0x3a: {  	_ =	swait.ge [sflag:s23], $0x4000  }
0x3b: {  	[sflag:s23] =	ssyncset.done $0x0  }
0x3c: {  	[sflag:s23] =	ssyncadd.s32 $0xFFFFC000  }
0x3d: {  	[spmem:s9] =	stream.linear.scatter [tilespmem:s22], [sflag:$0x7], $0x4000, $0x38;
	[tilespmem:$0x1EA00] =	vst v63  }
0x3e: {  	_ =	swait.ge [sflag:s23], $0x4000  }
0x3f: {  	[sflag:s23] =	ssyncset.done $0x0  }
0x40: {  	[sflag:s23] =	ssyncadd.s32 $0xFFFFC000  }
0x41: {  	[spmem:s10] =	stream.linear.scatter [tilespmem:s22], [sflag:$0x7], $0x3C00, $0x38;
	[tilespmem:$0x1EA00] =	vst v63  }
0x42: {  	_ =	swait.ge [sflag:s23], $0x3C00  }
0x43: {  	[sflag:s23] =	ssyncset.done $0x0  }
0x44: {  	s15 =	simm.s32 @!p0 $0x300;
	[sflag:s23] =	ssyncadd.s32 $0xFFFFC400  }
0x45: {  	[spmem:s3] =	stream.linear.scatter @!p0 [tilespmem:s15], [sflag:$0x7], $0x2800, $0x38;
	[tilespmem:$0x1EA00] =	vst v63  }
0x46: {  	s15 =	simm.s32 @!p0 $0x7  }
0x47: {  	_ =	swait.ge @!p0 [sflag:s15], $0x2800  }
0x48: {  	[sflag:s15] =	ssyncset.done @!p0 $0x0  }
0x49: {  	[sflag:s15] =	ssyncadd.s32 @!p0 $0xFFFFD800  }
0x4a: {  	[bflag:$0x0] =	sbarrier.arrive $0xFFFF  }
0x4b: {  	s17 =	rddreg [dreg:$0xe]  }
0x4c: {  	[tilespmem:s4], [sflag:$0x7] =	stream.linear.gather [hbm4b:s17+s4], $0x80, $0x38;
	[tilespmem:$0x1EA00] =	vst v63  }
0x4d: {  	_ =	swait.ge [sflag:s23], $0x80  }
0x4e: {  	[sflag:s23] =	ssyncset.done $0x0  }
0x4f: {  	s18 =	rddreg [dreg:$0xf];
	[sflag:s23] =	ssyncadd.s32 $0xFFFFFF80  }
0x50: {  	[tilespmem:s25], [sflag:$0x7] =	stream.linear.gather [hbm4b:s18+s4], $0x80, $0x38;
	[tilespmem:$0x1EA00] =	vst v63  }
0x51: {  	_ =	swait.ge [sflag:s23], $0x80  }
0x52: {  	[sflag:s23] =	ssyncset.done $0x0  }
0x53: {  	s19 =	rddreg [dreg:$0x10];
	[sflag:s23] =	ssyncadd.s32 $0xFFFFFF80  }
0x54: {  	[tilespmem:s26], [sflag:$0x6] =	stream.linear.gather [hbm4b:s19+s4], $0x80, $0x38;
	[tilespmem:$0x1EA00] =	vst v63  }
0x55: {  	s20 =	rddreg [dreg:$0x11]  }
0x56: {  	[tilespmem:s28], [sflag:$0x6] =	stream.linear.gather [hbm4b:s20+s4], $0x80, $0x38;
	[tilespmem:$0x1EA00] =	vst v63  }
0x57: {  	s15 =	simm.s32 $0x0  }
0x58: {  	[tilespmem:s22], [sflag:$0x1] =	stream.indirect.gather [hbm4b:s5+s25], $0x80, s4, s25, $0xb8;
	[tilespmem:$0x1EA00] =	vst v63  }
.LBB2_2:
0x59: {  	p1 =	seq.s32 s15, $0x0  }
0x5a: {  	s16 =	simm.s32 @!p1 $0x4  }
0x5b: {  	_ =	swait.ge @!p1 [sflag:s16], $0x4000  }
0x5c: {  	[sflag:s16] =	ssyncset.done @!p1 $0x0  }
0x5d: {  	[sflag:s16] =	ssyncadd.s32 @!p1 $0xFFFFC000  }
0x5e: {  	_ =	swait.ge [sflag:s29], $0x80  }
0x5f: {  	[sflag:s29] =	ssyncset.done $0x0  }
0x60: {  	[sflag:s29] =	ssyncadd.s32 $0xFFFFFF80  }
0x61: {  	_ =	swait.ge [sflag:s29], $0x80  }
0x62: {  	[sflag:s29] =	ssyncset.done $0x0  }
0x63: {  	[sflag:s29] =	ssyncadd.s32 $0xFFFFFF80  }
0x64: {  	[tilespmem:s30], [sflag:$0x2] =	stream.indirect.gather [hbm4b:s5+s25], $0x80, s26, s25, $0xb8;
	[tilespmem:$0x1EA00] =	vst v63  }
0x65: {  	_ =	swait.ge [sflag:s31], $0x4000  }
0x66: {  	[sflag:s31] =	ssyncset.done $0x0  }
0x67: {  	s20 =	rddreg [dreg:$0xc];
	[sflag:s31] =	ssyncadd.s32 $0xFFFFC000  }
0x68: {  	[spmem:s1] =	stream.indirect.scatter.add.f32 [tilespmem:s22], [sflag:$0x3], $0x80, s25, s25, $0xb8;
	[tilespmem:$0x1EA00] =	vst v63  }
0x69: {  	s17 =	rddreg [dreg:$0xb];
	s16 =	sadd.s32 s15, s20  }
0x6a: {  	[tilespmem:s4], [sflag:$0x5] =	stream.linear.gather [hbm4b:s16+s4], $0x80, $0x38;
	[tilespmem:$0x1EA00] =	vst v63  }
0x6b: {  	s17 =	sadd.s32 s15, s17  }
0x6c: {  	[tilespmem:s2], [sflag:$0x5] =	stream.linear.gather [hbm4b:s17+s4], $0x80, $0x38;
	[tilespmem:$0x1EA00] =	vst v63  }
0x6d: {  	v6 =	vld [tilespmem:$0x80];
	_ =	sdelay $0x7  }
0x6e: {  	[tilespmem:v6+s24+$0x0] =	vst.idx.add.f32.msk $0xffff, v5  }
0x6f: {  	v6 =	vld [tilespmem:$0x90];
	_ =	sdelay $0x7  }
0x70: {  	[tilespmem:v6+s24+$0x0] =	vst.idx.add.f32.msk $0xffff, v5  }
0x71: {  	v6 =	vld [tilespmem:$0xA0];
	_ =	sdelay $0x7  }
0x72: {  	[tilespmem:v6+s24+$0x0] =	vst.idx.add.f32.msk $0xffff, v5  }
0x73: {  	v6 =	vld [tilespmem:$0xB0];
	_ =	sdelay $0x7  }
0x74: {  	[tilespmem:v6+s24+$0x0] =	vst.idx.add.f32.msk $0xffff, v5  }
0x75: {  	v6 =	vld [tilespmem:$0xC0];
	_ =	sdelay $0x7  }
0x76: {  	[tilespmem:v6+s24+$0x0] =	vst.idx.add.f32.msk $0xffff, v5  }
0x77: {  	v6 =	vld [tilespmem:$0xD0];
	_ =	sdelay $0x7  }
0x78: {  	[tilespmem:v6+s24+$0x0] =	vst.idx.add.f32.msk $0xffff, v5  }
0x79: {  	v6 =	vld [tilespmem:$0xE0];
	_ =	sdelay $0x7  }
0x7a: {  	[tilespmem:v6+s24+$0x0] =	vst.idx.add.f32.msk $0xffff, v5  }
0x7b: {  	v6 =	vld [tilespmem:$0xF0];
	_ =	sdelay $0x7  }
0x7c: {  	[tilespmem:v6+s24+$0x0] =	vst.idx.add.f32.msk $0xffff, v5  }
0x7d: {  	_ =	swait.ge [sflag:s0], $0x4000  }
0x7e: {  	[sflag:s0] =	ssyncset.done $0x0  }
0x7f: {  	[sflag:s0] =	ssyncadd.s32 $0xFFFFC000  }
0x80: {  	_ =	swait.ge [sflag:s11], $0x80  }
0x81: {  	[sflag:s11] =	ssyncset.done $0x0  }
0x82: {  	[sflag:s11] =	ssyncadd.s32 $0xFFFFFF80  }
0x83: {  	_ =	swait.ge [sflag:s11], $0x80  }
0x84: {  	[sflag:s11] =	ssyncset.done $0x0  }
0x85: {  	[sflag:s11] =	ssyncadd.s32 $0xFFFFFF80  }
0x86: {  	[tilespmem:s22], [sflag:$0x1] =	stream.indirect.gather [hbm4b:s5+s25], $0x80, s4, s25, $0xb8;
	[tilespmem:$0x1EA00] =	vst v63  }
0x87: {  	_ =	swait.ge [sflag:s12], $0x4000  }
0x88: {  	[sflag:s12] =	ssyncset.done $0x0  }
0x89: {  	s18 =	rddreg [dreg:$0xa];
	[sflag:s12] =	ssyncadd.s32 $0xFFFFC000  }
0x8a: {  	[spmem:s1] =	stream.indirect.scatter.add.f32 [tilespmem:s30], [sflag:$0x4], $0x80, s28, s25, $0xb8;
	[tilespmem:$0x1EA00] =	vst v63  }
0x8b: {  	s19 =	rddreg [dreg:$0x9];
	s16 =	sadd.s32 s15, s18  }
0x8c: {  	[tilespmem:s26], [sflag:$0x6] =	stream.linear.gather [hbm4b:s16+s4], $0x80, $0x38;
	[tilespmem:$0x1EA00] =	vst v63  }
0x8d: {  	s18 =	rddreg [dreg:$0xd];
	s20 =	sadd.s32 s15, s19  }
0x8e: {  	[tilespmem:s18], [sflag:$0x6] =	stream.linear.gather [hbm4b:s20+s4], $0x80, $0x38;
	[tilespmem:$0x1EA00] =	vst v63  }
0x8f: {  	v6 =	vld [tilespmem:$0x180];
	_ =	sdelay $0x7  }
0x90: {  	[tilespmem:v6+s24+$0x0] =	vst.idx.add.f32.msk $0xffff, v5  }
0x91: {  	v6 =	vld [tilespmem:$0x190];
	_ =	sdelay $0x7  }
0x92: {  	[tilespmem:v6+s24+$0x0] =	vst.idx.add.f32.msk $0xffff, v5  }
0x93: {  	v6 =	vld [tilespmem:$0x1A0];
	_ =	sdelay $0x7  }
0x94: {  	[tilespmem:v6+s24+$0x0] =	vst.idx.add.f32.msk $0xffff, v5  }
0x95: {  	v6 =	vld [tilespmem:$0x1B0];
	_ =	sdelay $0x7  }
0x96: {  	[tilespmem:v6+s24+$0x0] =	vst.idx.add.f32.msk $0xffff, v5  }
0x97: {  	v6 =	vld [tilespmem:$0x1C0];
	_ =	sdelay $0x7  }
0x98: {  	[tilespmem:v6+s24+$0x0] =	vst.idx.add.f32.msk $0xffff, v5  }
0x99: {  	v6 =	vld [tilespmem:$0x1D0];
	_ =	sdelay $0x7  }
0x9a: {  	[tilespmem:v6+s24+$0x0] =	vst.idx.add.f32.msk $0xffff, v5  }
0x9b: {  	v6 =	vld [tilespmem:$0x1E0];
	_ =	sdelay $0x7  }
0x9c: {  	[tilespmem:v6+s24+$0x0] =	vst.idx.add.f32.msk $0xffff, v5  }
0x9d: {  	v6 =	vld [tilespmem:$0x1F0];
	_ =	sdelay $0x7  }
0x9e: {  	[tilespmem:v6+s24+$0x0] =	vst.idx.add.f32.msk $0xffff, v5  }
0x9f: {  	_ =	swait.ge [sflag:s13], $0x4000  }
0xa0: {  	[sflag:s13] =	ssyncset.done $0x0  }
0xa1: {  	[sflag:s13] =	ssyncadd.s32 $0xFFFFC000  }
0xa2: {  	_ =	swait.ge [sflag:s29], $0x80  }
0xa3: {  	[sflag:s29] =	ssyncset.done $0x0  }
0xa4: {  	[sflag:s29] =	ssyncadd.s32 $0xFFFFFF80  }
0xa5: {  	_ =	swait.ge [sflag:s29], $0x80  }
0xa6: {  	[sflag:s29] =	ssyncset.done $0x0  }
0xa7: {  	[sflag:s29] =	ssyncadd.s32 $0xFFFFFF80  }
0xa8: {  	[tilespmem:s30], [sflag:$0x2] =	stream.indirect.gather [hbm4b:s5+s25], $0x80, s26, s25, $0xb8;
	[tilespmem:$0x1EA00] =	vst v63  }
0xa9: {  	_ =	swait.ge [sflag:s31], $0x4000  }
0xaa: {  	[sflag:s31] =	ssyncset.done $0x0  }
0xab: {  	p1 =	seq.s32 s15, $0x4C0;
	s16 =	rddreg [dreg:$0x8];
	[sflag:s31] =	ssyncadd.s32 $0xFFFFC000  }
0xac: {  	[spmem:s1] =	stream.indirect.scatter.add.f32 [tilespmem:s22], [sflag:$0x3], $0x80, s2, s25, $0xb8;
	[tilespmem:$0x1EA00] =	vst v63  }
0xad: {  	s18 =	simm.s32 @!p1 $0x0;
	s17 =	rddreg [dreg:$0x7];
	s16 =	sadd.s32 @!p1 s15, s16  }
0xae: {  	[tilespmem:s18], [sflag:$0x5] =	stream.linear.gather @!p1 [hbm4b:s16+s18], $0x80, $0x38;
	[tilespmem:$0x1EA00] =	vst v63  }
0xaf: {  	s16 =	sadd.s32 @!p1 s15, s17;
	s17 =	simm.s32 @!p1 $0x80  }
0xb0: {  	[tilespmem:s17], [sflag:$0x5] =	stream.linear.gather @!p1 [hbm4b:s16+s18], $0x80, $0x38;
	[tilespmem:$0x1EA00] =	vst v63  }
0xb1: {  	v6 =	vld [tilespmem:$0x200];
	_ =	sdelay $0x7  }
0xb2: {  	[tilespmem:v6+s24+$0x0] =	vst.idx.add.f32.msk $0xffff, v5  }
0xb3: {  	v6 =	vld [tilespmem:$0x210];
	_ =	sdelay $0x7  }
0xb4: {  	[tilespmem:v6+s24+$0x0] =	vst.idx.add.f32.msk $0xffff, v5  }
0xb5: {  	v6 =	vld [tilespmem:$0x220];
	_ =	sdelay $0x7  }
0xb6: {  	[tilespmem:v6+s24+$0x0] =	vst.idx.add.f32.msk $0xffff, v5  }
0xb7: {  	v6 =	vld [tilespmem:$0x230];
	_ =	sdelay $0x7  }
0xb8: {  	[tilespmem:v6+s24+$0x0] =	vst.idx.add.f32.msk $0xffff, v5  }
0xb9: {  	v6 =	vld [tilespmem:$0x240];
	_ =	sdelay $0x7  }
0xba: {  	[tilespmem:v6+s24+$0x0] =	vst.idx.add.f32.msk $0xffff, v5  }
0xbb: {  	v6 =	vld [tilespmem:$0x250];
	_ =	sdelay $0x7  }
0xbc: {  	[tilespmem:v6+s24+$0x0] =	vst.idx.add.f32.msk $0xffff, v5  }
0xbd: {  	v6 =	vld [tilespmem:$0x260];
	_ =	sdelay $0x7  }
0xbe: {  	[tilespmem:v6+s24+$0x0] =	vst.idx.add.f32.msk $0xffff, v5  }
0xbf: {  	v6 =	vld [tilespmem:$0x270];
	_ =	sdelay $0x7  }
0xc0: {  	[tilespmem:v6+s24+$0x0] =	vst.idx.add.f32.msk $0xffff, v5  }
0xc1: {  	_ =	swait.ge [sflag:s0], $0x4000  }
0xc2: {  	[sflag:s0] =	ssyncset.done $0x0  }
0xc3: {  	s16 =	simm.s32 @p1 $0x2;
	[sflag:s0] =	ssyncadd.s32 $0xFFFFC000  }
0xc4: {  	_ =	swait.ge @p1 [sflag:s16], $0x4000  }
0xc5: {  	s19 =	simm.s32 @p1 $0x280;
	[sflag:s16] =	ssyncset.done @p1 $0x0  }
0xc6: {  	s20 =	simm.s32 @p1 $0x4300;
	[sflag:s16] =	ssyncadd.s32 @p1 $0xFFFFC000;
	s16 =	simm.s32 @p1 $0x80  }
0xc7: {  	[spmem:s1] =	stream.indirect.scatter.add.f32 @p1 [tilespmem:s20], [sflag:$0x4], $0x80, s19, s16, $0xb8;
	[tilespmem:$0x1EA00] =	vst v63  }
0xc8: {  	s16 =	simm.s32 @!p1 $0x5  }
0xc9: {  	_ =	swait.ge @!p1 [sflag:s16], $0x80  }
0xca: {  	[sflag:s16] =	ssyncset.done @!p1 $0x0  }
0xcb: {  	[sflag:s16] =	ssyncadd.s32 @!p1 $0xFFFFFF80  }
0xcc: {  	_ =	swait.ge @!p1 [sflag:s16], $0x80  }
0xcd: {  	[sflag:s16] =	ssyncset.done @!p1 $0x0  }
0xce: {  	[sflag:s16] =	ssyncadd.s32 @!p1 $0xFFFFFF80;
	s16 =	simm.s32 @!p1 $0x300  }
0xcf: {  	[tilespmem:s16], [sflag:$0x1] =	stream.indirect.gather @!p1 [hbm4b:s5+s17], $0x80, s18, s17, $0xb8;
	[tilespmem:$0x1EA00] =	vst v63  }
0xd0: {  	s16 =	simm.s32 @!p1 $0x2  }
0xd1: {  	_ =	swait.ge @!p1 [sflag:s16], $0x4000  }
0xd2: {  	s19 =	simm.s32 @!p1 $0x4300;
	[sflag:s16] =	ssyncset.done @!p1 $0x0  }
0xd3: {  	s20 =	rddreg [dreg:$0x6];
	[sflag:s16] =	ssyncadd.s32 @!p1 $0xFFFFC000;
	s16 =	simm.s32 @!p1 $0x280  }
0xd4: {  	[spmem:s1] =	stream.indirect.scatter.add.f32 @!p1 [tilespmem:s19], [sflag:$0x4], $0x80, s16, s17, $0xb8;
	[tilespmem:$0x1EA00] =	vst v63  }
0xd5: {  	s16 =	rddreg [dreg:$0x5];
	s17 =	sadd.s32 @!p1 s15, s20;
	s19 =	simm.s32 @!p1 $0x100  }
0xd6: {  	[tilespmem:s19], [sflag:$0x6] =	stream.linear.gather @!p1 [hbm4b:s17+s18], $0x80, $0x38;
	[tilespmem:$0x1EA00] =	vst v63  }
0xd7: {  	s16 =	sadd.s32 @!p1 s15, s16;
	s17 =	simm.s32 @!p1 $0x180  }
0xd8: {  	[tilespmem:s17], [sflag:$0x6] =	stream.linear.gather @!p1 [hbm4b:s16+s18], $0x80, $0x38;
	[tilespmem:$0x1EA00] =	vst v63  }
0xd9: {  	v6 =	vld [tilespmem:$0x280];
	_ =	sdelay $0x7  }
0xda: {  	[tilespmem:v6+s24+$0x0] =	vst.idx.add.f32.msk $0xffff, v5  }
0xdb: {  	v6 =	vld [tilespmem:$0x290];
	_ =	sdelay $0x7  }
0xdc: {  	[tilespmem:v6+s24+$0x0] =	vst.idx.add.f32.msk $0xffff, v5  }
0xdd: {  	v6 =	vld [tilespmem:$0x2A0];
	_ =	sdelay $0x7  }
0xde: {  	[tilespmem:v6+s24+$0x0] =	vst.idx.add.f32.msk $0xffff, v5  }
0xdf: {  	v6 =	vld [tilespmem:$0x2B0];
	_ =	sdelay $0x7  }
0xe0: {  	[tilespmem:v6+s24+$0x0] =	vst.idx.add.f32.msk $0xffff, v5  }
0xe1: {  	v6 =	vld [tilespmem:$0x2C0];
	_ =	sdelay $0x7  }
0xe2: {  	[tilespmem:v6+s24+$0x0] =	vst.idx.add.f32.msk $0xffff, v5  }
0xe3: {  	v6 =	vld [tilespmem:$0x2D0];
	_ =	sdelay $0x7  }
0xe4: {  	[tilespmem:v6+s24+$0x0] =	vst.idx.add.f32.msk $0xffff, v5  }
0xe5: {  	v6 =	vld [tilespmem:$0x2E0];
	_ =	sdelay $0x7  }
0xe6: {  	[tilespmem:v6+s24+$0x0] =	vst.idx.add.f32.msk $0xffff, v5  }
0xe7: {  	v6 =	vld [tilespmem:$0x2F0];
	_ =	sdelay $0x1  }
0xe8: {  	s15 =	sadd.s32 $0x40, s15  }
0xe9: {  	p1 =	sne.s32 s15, $0x500  }
.Ltmp0:
0xea: {  	_ = 	snop;
	(pc) =	sbr.rel @p1 .LBB2_2-.Ltmp0, $2  }
0xeb: {  	_ =	sdelay $0x2  }
0xec: {  	[tilespmem:v6+s24+$0x0] =	vst.idx.add.f32.msk $0xffff, v5  }
0xed: {  	_ =	swait.ge [sflag:s13], $0x4000  }
0xee: {  	[sflag:s13] =	ssyncset.done $0x0  }
0xef: {  	s15 =	simm.s32 $0x50;
	s16 =	simm.s32 $0xAB00;
	[sflag:s13] =	ssyncadd.s32 $0xFFFFC000  }
0xf0: {  	[spmem:s3] =	stream.indirect.scatter.add.f32 [tilespmem:s24], [sflag:$0x7], $0x80, s16, s15, $0xb8;
	[tilespmem:$0x1EA00] =	vst v63  }
0xf1: {  	_ =	swait.ge [sflag:s23], $0x2800  }
0xf2: {  	[sflag:s23] =	ssyncset.done $0x0  }
0xf3: {  	[sflag:s23] =	ssyncadd.s32 $0xFFFFD800  }
0xf4: {  	[bflag:$0x0] =	sbarrier.arrive $0xFFFF  }
0xf5: {  	[tilespmem:s22], [sflag:$0x7] =	stream.linear.gather [spmem:s6], $0x4000, $0x38;
	[tilespmem:$0x1EA00] =	vst v63  }
0xf6: {  	_ =	swait.ge [sflag:s23], $0x4000  }
0xf7: {  	[sflag:s23] =	ssyncset.done $0x0  }
0xf8: {  	s16 =	rddreg [dreg:$0x12];
	[sflag:s23] =	ssyncadd.s32 $0xFFFFC000  }
0xf9: {  	[hbm4b:s16+s4] =	stream.linear.scatter [tilespmem:s22], [sflag:$0x7], $0x4000, $0x38;
	[tilespmem:$0x1EA00] =	vst v63  }
0xfa: {  	_ =	swait.ge [sflag:s23], $0x4000  }
0xfb: {  	[sflag:s23] =	ssyncset.done $0x0  }
0xfc: {  	[sflag:s23] =	ssyncadd.s32 $0xFFFFC000  }
0xfd: {  	[tilespmem:s22], [sflag:$0x7] =	stream.linear.gather [spmem:s7], $0x4000, $0x38;
	[tilespmem:$0x1EA00] =	vst v63  }
0xfe: {  	_ =	swait.ge [sflag:s23], $0x4000  }
0xff: {  	[sflag:s23] =	ssyncset.done $0x0  }
0x100: {  	s17 =	rddreg [dreg:$0x13];
	[sflag:s23] =	ssyncadd.s32 $0xFFFFC000  }
0x101: {  	[hbm4b:s17+s4] =	stream.linear.scatter [tilespmem:s22], [sflag:$0x7], $0x4000, $0x38;
	[tilespmem:$0x1EA00] =	vst v63  }
0x102: {  	_ =	swait.ge [sflag:s23], $0x4000  }
0x103: {  	[sflag:s23] =	ssyncset.done $0x0  }
0x104: {  	[sflag:s23] =	ssyncadd.s32 $0xFFFFC000  }
0x105: {  	[tilespmem:s22], [sflag:$0x7] =	stream.linear.gather [spmem:s8], $0x4000, $0x38;
	[tilespmem:$0x1EA00] =	vst v63  }
0x106: {  	_ =	swait.ge [sflag:s23], $0x4000  }
0x107: {  	[sflag:s23] =	ssyncset.done $0x0  }
0x108: {  	s18 =	rddreg [dreg:$0x14];
	[sflag:s23] =	ssyncadd.s32 $0xFFFFC000  }
0x109: {  	[hbm4b:s18+s4] =	stream.linear.scatter [tilespmem:s22], [sflag:$0x7], $0x4000, $0x38;
	[tilespmem:$0x1EA00] =	vst v63  }
0x10a: {  	_ =	swait.ge [sflag:s23], $0x4000  }
0x10b: {  	[sflag:s23] =	ssyncset.done $0x0  }
0x10c: {  	[sflag:s23] =	ssyncadd.s32 $0xFFFFC000  }
0x10d: {  	[tilespmem:s22], [sflag:$0x7] =	stream.linear.gather [spmem:s9], $0x4000, $0x38;
	[tilespmem:$0x1EA00] =	vst v63  }
0x10e: {  	_ =	swait.ge [sflag:s23], $0x4000  }
0x10f: {  	[sflag:s23] =	ssyncset.done $0x0  }
0x110: {  	s19 =	rddreg [dreg:$0x15];
	[sflag:s23] =	ssyncadd.s32 $0xFFFFC000  }
0x111: {  	[hbm4b:s19+s4] =	stream.linear.scatter [tilespmem:s22], [sflag:$0x7], $0x4000, $0x38;
	[tilespmem:$0x1EA00] =	vst v63  }
0x112: {  	_ =	swait.ge [sflag:s23], $0x4000  }
0x113: {  	[sflag:s23] =	ssyncset.done $0x0  }
0x114: {  	[sflag:s23] =	ssyncadd.s32 $0xFFFFC000  }
0x115: {  	[tilespmem:s22], [sflag:$0x7] =	stream.linear.gather [spmem:s10], $0x3C00, $0x38;
	[tilespmem:$0x1EA00] =	vst v63  }
0x116: {  	_ =	swait.ge [sflag:s23], $0x3C00  }
0x117: {  	[sflag:s23] =	ssyncset.done $0x0  }
0x118: {  	s20 =	rddreg [dreg:$0x16];
	[sflag:s23] =	ssyncadd.s32 $0xFFFFC400  }
0x119: {  	[hbm4b:s20+s4] =	stream.linear.scatter [tilespmem:s22], [sflag:$0x7], $0x3C00, $0x38;
	[tilespmem:$0x1EA00] =	vst v63  }
0x11a: {  	_ =	swait.ge [sflag:s23], $0x3C00  }
0x11b: {  	[sflag:s23] =	ssyncset.done $0x0  }
0x11c: {  	s15 =	simm.s32 @!p0 $0x300;
	s16 =	simm.s32 @!p0 $0x7;
	[sflag:s23] =	ssyncadd.s32 $0xFFFFC400  }
0x11d: {  	[tilespmem:s15], [sflag:$0x7] =	stream.linear.gather @!p0 [spmem:s3], $0x2800, $0x38;
	[tilespmem:$0x1EA00] =	vst v63  }
0x11e: {  	s14 =	sadd.s32 $0x1, s14;
	_ =	swait.ge @!p0 [sflag:s16], $0x2800  }
0x11f: {  	p1 =	sne.s32 s14, s21;
	s17 =	simm.s32 @!p0 $0x0;
	[sflag:s16] =	ssyncset.done @!p0 $0x0  }
.Ltmp1:
0x120: {  	s18 =	rddreg [dreg:$0x17];
	[sflag:s16] =	ssyncadd.s32 @!p0 $0xFFFFD800;
	(pc) =	sbr.rel @p1 .LBB2_1-.Ltmp1, $4  }
0x121: {  	[hbm4b:s18+s17] =	stream.linear.scatter @!p0 [tilespmem:s15], [sflag:$0x7], $0x2800, $0x38;
	[tilespmem:$0x1EA00] =	vst v63  }
0x122: {  	_ =	swait.ge @!p0 [sflag:s16], $0x2800  }
0x123: {  	[sflag:s16] =	ssyncset.done @!p0 $0x0  }
0x124: {  	[sflag:s16] =	ssyncadd.s32 @!p0 $0xFFFFD800  }
0x125: {  	_ =	sfence.sel $0x180000  }
0x126: {  	[bflag:$0x0] =	sbarrier.arrive $0xFFFF  }
0x127: {  	_ =	strace $0x90000047  }
0x128: {  	[bflag:$0x2] =	sbarrier.arrive $0xFFFF  }
0x129: {  	s0 =	rddreg [dreg:$0x4]  }
0x12a: {  	s0 =	sadd.s32 @!p0 $0x100000, s0  }
0x12b: {  	[sflag:s0] =	ssyncadd.tile.s32 @!p0 $0x1;
	_ =	shalt  }
.Lfunc_end2:
_tile_overlayer_lowered:
.L_overlay_start_2:
0x12c: {  	(tag) =	ssettag $0x2  }
0x12d: {  	s0 =	rddreg [dreg:$0x0];
	s2 =	stileid.u32  }
0x12e: {  	s1 =	rddreg [dreg:$0x1];
	p0 =	sne.s32 s2, $0x0  }
0x12f: {  	s3 =	rddreg [dreg:$0x2];
	[bflag:$0x3] =	sbarrier.arrive $0xFFFF;
	s2 =	simm.s32 @!p0 $0x1C07  }
0x130: {  	[timem:s3], [sflag:s2] =	dma.local @!p0 [hbm:s0], s1  }
0x131: {  	s0 =	simm.s32 @!p0 $0x7  }
0x132: {  	_ =	swait.ge @!p0 [sflag:s0], s1  }
0x133: {  	s1 =	ssub.s32 @!p0 $0x0, s1;
	[sflag:s0] =	ssyncset.done @!p0 $0x0  }
0x134: {  	[sflag:s0] =	ssyncadd.s32 @!p0 s1  }
0x135: {  	[bflag:$0x3] =	sbarrier.arrive $0xFFFF  }
0x136: {  	_ =	shalt  }

</sc_bundles>
